<compile_context>
chip_gen: v7x
topology: tpu7x:2x2x1
jax: 0.10.2.dev20260603
libtpu: 0.0.44.dev20260713+nightly
codegen_flags: <defaults>
</compile_context>

<pallas_src>
import functools

import jax
import jax.numpy as jnp
from jax import lax
from jax.experimental import pallas as pl
from jax.experimental.pallas import tpu as pltpu
from jax.experimental.pallas import tpu_sc as plsc

B = 4096
D = 768
K = 8192
PLEN = 20
HALF = (PLEN // 2) * D

BM = 2048
BK = 1024
NB = B // BM
NK = K // BK
EPS = 1e-12


def _topk_body(xq_ref, key_ref, out_ref, best_ref, bidx_ref):
    kb = pl.program_id(1)
    xq = xq_ref[...]
    qn = xq / jnp.maximum(jnp.sqrt(jnp.sum(xq * xq, axis=1, keepdims=True)), EPS)
    kv = key_ref[...]
    kn = kv / jnp.maximum(jnp.sqrt(jnp.sum(kv * kv, axis=1, keepdims=True)), EPS)
    s = lax.dot_general(qn, kn, (((1,), (1,)), ((), ())),
                        preferred_element_type=jnp.float32)
    m = jnp.max(s, axis=1, keepdims=True)
    iota = lax.broadcasted_iota(jnp.int32, s.shape, 1)
    a = jnp.min(jnp.where(s == m, iota, K), axis=1, keepdims=True) + kb * BK

    @pl.when(kb == 0)
    def _():
        best_ref[...] = m
        bidx_ref[...] = a

    @pl.when(kb > 0)
    def _():
        prev_best = best_ref[...]
        prev_idx = bidx_ref[...]
        upd = m > prev_best
        best_ref[...] = jnp.where(upd, m, prev_best)
        bidx_ref[...] = jnp.where(upd, a, prev_idx)

    @pl.when(kb == NK - 1)
    def _():
        out_ref[...] = bidx_ref[...]


def _top1_indices(xq, key):
    return pl.pallas_call(
        _topk_body,
        grid=(NB, NK),
        in_specs=[
            pl.BlockSpec((BM, D), lambda b, k: (b, 0)),
            pl.BlockSpec((BK, D), lambda b, k: (k, 0)),
        ],
        out_specs=pl.BlockSpec((BM, 1), lambda b, k: (b, 0)),
        out_shape=jax.ShapeDtypeStruct((B, 1), jnp.int32),
        scratch_shapes=[
            pltpu.VMEM((BM, 1), jnp.float32),
            pltpu.VMEM((BM, 1), jnp.int32),
        ],
    )(xq, key)


NC = 2
NS = 16
NW = NC * NS
BPW = B // NW
CH1 = 4
NCH1 = BPW // CH1
CH2 = 16
NCH2 = BPW // CH2


@functools.cache
def _make_sc_main():
    @functools.partial(
        pl.kernel,
        out_type=jax.ShapeDtypeStruct((B, 16, D), jnp.float32),
        mesh=plsc.VectorSubcoreMesh(core_axis_name="c", subcore_axis_name="s"),
        scratch_types=[
            pltpu.VMEM((NCH1, CH1), jnp.int32),
            pltpu.VMEM((CH1, 16, D), jnp.float32),
            pltpu.VMEM((CH1, 16, D), jnp.float32),
            pltpu.SemaphoreType.DMA,
            pltpu.SemaphoreType.DMA,
        ],
    )
    def _sc_main(p0_hbm, idx_hbm, out_hbm, idx_v, buf0, buf1, sem0, sem1):
        wid = lax.axis_index("s") * NC + lax.axis_index("c")
        base = wid * BPW
        pltpu.sync_copy(idx_hbm.at[wid], idx_v)

        def body(jj, carry):
            j0 = jj * 2
            j1 = j0 + 1
            a = pltpu.async_copy(
                p0_hbm.at[idx_v.at[j0], pl.ds(0, 16), :], buf0, sem0)
            b = pltpu.async_copy(
                p0_hbm.at[idx_v.at[j1], pl.ds(0, 16), :], buf1, sem1)
            a.wait()
            pltpu.sync_copy(buf0, out_hbm.at[pl.ds(base + j0 * CH1, CH1)])
            b.wait()
            pltpu.sync_copy(buf1, out_hbm.at[pl.ds(base + j1 * CH1, CH1)])
            return carry

        lax.fori_loop(0, NCH1 // 2, body, 0)

    return _sc_main


@functools.cache
def _make_sc_tail():
    @functools.partial(
        pl.kernel,
        out_type=jax.ShapeDtypeStruct((B, 8, D), jnp.float32),
        mesh=plsc.VectorSubcoreMesh(core_axis_name="c", subcore_axis_name="s"),
        scratch_types=[
            pltpu.VMEM((NCH2, CH2), jnp.int32),
            pltpu.VMEM((CH2, 8, D), jnp.float32),
            pltpu.SemaphoreType.DMA,
        ],
    )
    def _sc_tail(r16_hbm, idx_hbm, out_hbm, idx_v, buf, sem):
        wid = lax.axis_index("s") * NC + lax.axis_index("c")
        base = wid * BPW
        pltpu.sync_copy(idx_hbm.at[wid], idx_v)

        def body(j, carry):
            ids = idx_v.at[j]
            pltpu.async_copy(r16_hbm.at[ids], buf, sem).wait()
            pltpu.sync_copy(buf, out_hbm.at[pl.ds(base + j * CH2, CH2)])
            return carry

        lax.fori_loop(0, NCH2, body, 0)

    return _sc_tail


def kernel(l, x_block, x_query, key, p0):
    del l
    xq = x_query.reshape(B, D)
    idx = _top1_indices(xq, key)
    r16 = jnp.pad(p0[:, 16:, :], ((0, 0), (0, 4), (0, 0)))
    pkx = _make_sc_main()(p0, idx.reshape(NW, NCH1, CH1))
    pvc = _make_sc_tail()(r16, idx.reshape(NW, NCH2, CH2))
    pk = pkx[:, :PLEN // 2, :]
    pv = jnp.concatenate([pkx[:, PLEN // 2:16, :], pvc[:, :4, :]], axis=1)
    return (pk, pv, x_block)

# --- scband reference (transcript-rebuilt; emitter-appended) ---
"""Pipeline reference for scband-prompt-cod-26783416058580 (READ-ONLY COPY).

The authoritative reference and input builder live on the scoring server;
editing this copy changes nothing except your own understanding.
"""

import jax, jax.numpy as jnp
import numpy as np


def _normalize(x, axis=1, eps=1e-12):
    n = jnp.linalg.norm(x, axis=axis, keepdims=True)
    return x / jnp.maximum(n, eps)


def setup_inputs(seed: int = 0) -> dict:
    key = jax.random.key(seed)
    k1, k2, k3, k4 = jax.random.split(key, 4)
    x_block = jax.random.normal(k1, (4096, 8, 768), dtype=jnp.float32)
    x_query = jax.random.normal(k2, (4096, 1, 768), dtype=jnp.float32)
    key_emb = jax.random.normal(k3, (8192, 768), dtype=jnp.float32)
    # learned prompt pool parameter p_0 (used because l=0 is in p_layers)
    p0 = jax.random.normal(k4, (8192, 20, 768), dtype=jnp.float32) * 0.02
    return {"l": 0, "x_block": x_block, "x_query": x_query, "key": key_emb, "p0": p0}


def reference(l, x_block, x_query, key, p0):
    xq = jnp.squeeze(x_query, axis=1)
    xq = xq + jnp.asarray(l, dtype=xq.dtype) * 0
    B, C = xq.shape
    n_K = _normalize(key, axis=1)
    q = jax.lax.stop_gradient(_normalize(xq, axis=1))  # .detach() in torch
    cos_sim = jnp.einsum('bj,kj->bk', q, n_K)
    _, k_idx = jax.lax.top_k(cos_sim, 1)
    P_ = p0[k_idx]  # gather: [B, top_k, p_length, emb_dim]
    i = 20 // 2
    Pk = P_[:, :, :i, :].reshape(B, -1, 768)
    Pv = P_[:, :, i:, :].reshape(B, -1, 768)
    return (Pk, Pv, x_block)

if __name__ == "__main__":
    import jax
    _d = setup_inputs()
    print(jax.jit(kernel)(*tuple(_d.values())))

</pallas_src>

<mosaic_0001>
#map = affine_map<(d0, d1) -> (0, 0, 0)>
module attributes {stable_mosaic.version = 14 : i64} {
  func.func @_sc_main(%arg0: i32, %arg1: i32, %arg2: memref<8192x20x768xf32, #tpu.memory_space<hbm>>, %arg3: memref<32x32x4xi32, #tpu.memory_space<hbm>>, %arg4: memref<4096x16x768xf32, #tpu.memory_space<hbm>>, %arg5: memref<32x4xi32, #tpu.memory_space<vmem>>, %arg6: memref<4x16x768xf32, #tpu.memory_space<vmem>>, %arg7: memref<4x16x768xf32, #tpu.memory_space<vmem>>, %arg8: memref<!tpu.dma_semaphore, #tpu.memory_space<semaphore_mem>>, %arg9: memref<!tpu.dma_semaphore, #tpu.memory_space<semaphore_mem>>) attributes {dimension_semantics = [#tpu.dimension_semantics<core_parallel>, #tpu.dimension_semantics<subcore_parallel>], iteration_bounds = array<i64: 2, 16>, scalar_prefetch = 0 : i64, scratch_operands = 5 : i64, tpu.core_type = #tpu.core_type<sc_vector_subcore>, window_params = [{transform_indices = #map}, {transform_indices = #map}, {transform_indices = #map}]} {
    %mul3A = arith.constant 2 : i32
    %mul3A_0 = arith.muli %arg1, %mul3A : i32
    %add3A = arith.addi %mul3A_0, %arg0 : i32
    %mul3A_1 = arith.constant 128 : i32
    %mul3A_2 = arith.muli %add3A, %mul3A_1 : i32
    "tpu.region"() ({
      %run_scoped3A = tpu.sem_alloc : memref<!tpu.dma_semaphore, #tpu.memory_space<semaphore_mem>>
      %dma_start3A = arith.constant 0 : i32
      %dma_start3A_8 = arith.constant 0 : i32
      %dma_start3A_9 = tpu.memref_slice %arg3[%add3A, %dma_start3A, %dma_start3A_8] : memref<32x32x4xi32, #tpu.memory_space<hbm>> -> memref<1x32x4xi32, #tpu.memory_space<hbm>>
      %dma_start3A_10 = tpu.memref_squeeze %dma_start3A_9 : memref<1x32x4xi32, #tpu.memory_space<hbm>> -> memref<32x4xi32, #tpu.memory_space<hbm>>
      %dma_start3A_11 = arith.constant 0 : i32
      %dma_start3A_12 = arith.constant 0 : i32
      %dma_start3A_13 = tpu.memref_slice %arg3[%add3A, %dma_start3A_11, %dma_start3A_12] : memref<32x32x4xi32, #tpu.memory_space<hbm>> -> memref<1x32x4xi32, #tpu.memory_space<hbm>>
      %dma_start3A_14 = tpu.memref_squeeze %dma_start3A_13 : memref<1x32x4xi32, #tpu.memory_space<hbm>> -> memref<32x4xi32, #tpu.memory_space<hbm>>
      tpu.enqueue_dma source(%dma_start3A_14 : memref<32x4xi32, #tpu.memory_space<hbm>>) target(%arg5 : memref<32x4xi32, #tpu.memory_space<vmem>>) target_semaphore(%run_scoped3A : memref<!tpu.dma_semaphore, #tpu.memory_space<semaphore_mem>>)
      %dma_wait3A = arith.constant 0 : i32
      %dma_wait3A_15 = arith.constant 0 : i32
      %dma_wait3A_16 = tpu.memref_slice %arg3[%add3A, %dma_wait3A, %dma_wait3A_15] : memref<32x32x4xi32, #tpu.memory_space<hbm>> -> memref<1x32x4xi32, #tpu.memory_space<hbm>>
      %dma_wait3A_17 = tpu.memref_squeeze %dma_wait3A_16 : memref<1x32x4xi32, #tpu.memory_space<hbm>> -> memref<32x4xi32, #tpu.memory_space<hbm>>
      %dma_wait3A_18 = arith.constant 0 : i32
      %dma_wait3A_19 = arith.constant 0 : i32
      %dma_wait3A_20 = tpu.memref_slice %arg3[%add3A, %dma_wait3A_18, %dma_wait3A_19] : memref<32x32x4xi32, #tpu.memory_space<hbm>> -> memref<1x32x4xi32, #tpu.memory_space<hbm>>
      %dma_wait3A_21 = tpu.memref_squeeze %dma_wait3A_20 : memref<1x32x4xi32, #tpu.memory_space<hbm>> -> memref<32x4xi32, #tpu.memory_space<hbm>>
      tpu.wait_dma2 semaphore(%run_scoped3A : memref<!tpu.dma_semaphore, #tpu.memory_space<semaphore_mem>>) src(%dma_wait3A_21 : memref<32x4xi32, #tpu.memory_space<hbm>>) dst(%arg5 : memref<32x4xi32, #tpu.memory_space<vmem>>)
      tpu.yield
    }) : () -> ()
    %scan3A = arith.constant 0 : i32
    %scan3A_3 = arith.constant 0 : i32
    %scan3A_4 = arith.constant 16 : i32
    %scan3A_5 = arith.addi %scan3A_3, %scan3A_4 : i32
    %scan3A_6 = arith.constant 1 : i32
    scf.for %scan3A_8 = %scan3A_3 to %scan3A_5 step %scan3A_6  : i32 {
      %mul3A_9 = arith.constant 2 : i32
      %mul3A_10 = arith.muli %scan3A_8, %mul3A_9 : i32
      %add3A_11 = arith.constant 1 : i32
      %add3A_12 = arith.addi %mul3A_10, %add3A_11 : i32
      %dma_start3A = arith.constant 0 : i32
      %dma_start3A_13 = tpu.memref_slice %arg5[%mul3A_10, %dma_start3A] : memref<32x4xi32, #tpu.memory_space<vmem>> -> memref<1x4xi32, #tpu.memory_space<vmem>>
      %dma_start3A_14 = tpu.memref_squeeze %dma_start3A_13 : memref<1x4xi32, #tpu.memory_space<vmem>> -> memref<4xi32, #tpu.memory_space<vmem>>
      %dma_start3A_15 = arith.constant 0 : i32
      %dma_start3A_16 = arith.constant 0 : i32
      %dma_start3A_17 = arith.constant 0 : i32
      %dma_start3A_18 = tpu.memref_slice %arg2[%dma_start3A_15, %dma_start3A_16, %dma_start3A_17] : memref<8192x20x768xf32, #tpu.memory_space<hbm>> -> memref<8192x16x768xf32, #tpu.memory_space<hbm>>
      tpu.enqueue_indirect_dma source(%dma_start3A_18 : memref<8192x16x768xf32, #tpu.memory_space<hbm>>) target(%arg6 : memref<4x16x768xf32, #tpu.memory_space<vmem>>) offsets(%dma_start3A_14 : memref<4xi32, #tpu.memory_space<vmem>>) semaphore(%arg8 : memref<!tpu.dma_semaphore, #tpu.memory_space<semaphore_mem>>)
      %dma_start3A_19 = arith.constant 0 : i32
      %dma_start3A_20 = tpu.memref_slice %arg5[%add3A_12, %dma_start3A_19] : memref<32x4xi32, #tpu.memory_space<vmem>> -> memref<1x4xi32, #tpu.memory_space<vmem>>
      %dma_start3A_21 = tpu.memref_squeeze %dma_start3A_20 : memref<1x4xi32, #tpu.memory_space<vmem>> -> memref<4xi32, #tpu.memory_space<vmem>>
      %dma_start3A_22 = arith.constant 0 : i32
      %dma_start3A_23 = arith.constant 0 : i32
      %dma_start3A_24 = arith.constant 0 : i32
      %dma_start3A_25 = tpu.memref_slice %arg2[%dma_start3A_22, %dma_start3A_23, %dma_start3A_24] : memref<8192x20x768xf32, #tpu.memory_space<hbm>> -> memref<8192x16x768xf32, #tpu.memory_space<hbm>>
      tpu.enqueue_indirect_dma source(%dma_start3A_25 : memref<8192x16x768xf32, #tpu.memory_space<hbm>>) target(%arg7 : memref<4x16x768xf32, #tpu.memory_space<vmem>>) offsets(%dma_start3A_21 : memref<4xi32, #tpu.memory_space<vmem>>) semaphore(%arg9 : memref<!tpu.dma_semaphore, #tpu.memory_space<semaphore_mem>>)
      %dma_wait3A = arith.constant 0 : i32
      %dma_wait3A_26 = tpu.memref_slice %arg5[%mul3A_10, %dma_wait3A] : memref<32x4xi32, #tpu.memory_space<vmem>> -> memref<1x4xi32, #tpu.memory_space<vmem>>
      %dma_wait3A_27 = tpu.memref_squeeze %dma_wait3A_26 : memref<1x4xi32, #tpu.memory_space<vmem>> -> memref<4xi32, #tpu.memory_space<vmem>>
      %dma_wait3A_28 = arith.constant 0 : i32
      %dma_wait3A_29 = arith.constant 0 : i32
      %dma_wait3A_30 = arith.constant 0 : i32
      %dma_wait3A_31 = tpu.memref_slice %arg2[%dma_wait3A_28, %dma_wait3A_29, %dma_wait3A_30] : memref<8192x20x768xf32, #tpu.memory_space<hbm>> -> memref<8192x16x768xf32, #tpu.memory_space<hbm>>
      tpu.wait_indirect_dma semaphore(%arg8 : memref<!tpu.dma_semaphore, #tpu.memory_space<semaphore_mem>>) src(%dma_wait3A_31 : memref<8192x16x768xf32, #tpu.memory_space<hbm>>) dst(%arg6 : memref<4x16x768xf32, #tpu.memory_space<vmem>>)
      %mul3A_32 = arith.constant 4 : i32
      %mul3A_33 = arith.muli %mul3A_10, %mul3A_32 : i32
      %add3A_34 = arith.addi %mul3A_2, %mul3A_33 : i32
      "tpu.region"() ({
        %run_scoped3A = tpu.sem_alloc : memref<!tpu.dma_semaphore, #tpu.memory_space<semaphore_mem>>
        %dma_start3A_45 = arith.constant 0 : i32
        %dma_start3A_46 = arith.constant 0 : i32
        %dma_start3A_47 = tpu.memref_slice %arg4[%add3A_34, %dma_start3A_45, %dma_start3A_46] : memref<4096x16x768xf32, #tpu.memory_space<hbm>> -> memref<4x16x768xf32, #tpu.memory_space<hbm>>
        %dma_start3A_48 = arith.constant 0 : i32
        %dma_start3A_49 = arith.constant 0 : i32
        %dma_start3A_50 = tpu.memref_slice %arg4[%add3A_34, %dma_start3A_48, %dma_start3A_49] : memref<4096x16x768xf32, #tpu.memory_space<hbm>> -> memref<4x16x768xf32, #tpu.memory_space<hbm>>
        tpu.enqueue_dma source(%arg6 : memref<4x16x768xf32, #tpu.memory_space<vmem>>) target(%dma_start3A_50 : memref<4x16x768xf32, #tpu.memory_space<hbm>>) target_semaphore(%run_scoped3A : memref<!tpu.dma_semaphore, #tpu.memory_space<semaphore_mem>>)
        %dma_wait3A_51 = arith.constant 0 : i32
        %dma_wait3A_52 = arith.constant 0 : i32
        %dma_wait3A_53 = tpu.memref_slice %arg4[%add3A_34, %dma_wait3A_51, %dma_wait3A_52] : memref<4096x16x768xf32, #tpu.memory_space<hbm>> -> memref<4x16x768xf32, #tpu.memory_space<hbm>>
        %dma_wait3A_54 = arith.constant 0 : i32
        %dma_wait3A_55 = arith.constant 0 : i32
        %dma_wait3A_56 = tpu.memref_slice %arg4[%add3A_34, %dma_wait3A_54, %dma_wait3A_55] : memref<4096x16x768xf32, #tpu.memory_space<hbm>> -> memref<4x16x768xf32, #tpu.memory_space<hbm>>
        tpu.wait_dma2 semaphore(%run_scoped3A : memref<!tpu.dma_semaphore, #tpu.memory_space<semaphore_mem>>) src(%arg6 : memref<4x16x768xf32, #tpu.memory_space<vmem>>) dst(%dma_wait3A_56 : memref<4x16x768xf32, #tpu.memory_space<hbm>>)
        tpu.yield
      }) : () -> ()
      %dma_wait3A_35 = arith.constant 0 : i32
      %dma_wait3A_36 = tpu.memref_slice %arg5[%add3A_12, %dma_wait3A_35] : memref<32x4xi32, #tpu.memory_space<vmem>> -> memref<1x4xi32, #tpu.memory_space<vmem>>
      %dma_wait3A_37 = tpu.memref_squeeze %dma_wait3A_36 : memref<1x4xi32, #tpu.memory_space<vmem>> -> memref<4xi32, #tpu.memory_space<vmem>>
      %dma_wait3A_38 = arith.constant 0 : i32
      %dma_wait3A_39 = arith.constant 0 : i32
      %dma_wait3A_40 = arith.constant 0 : i32
      %dma_wait3A_41 = tpu.memref_slice %arg2[%dma_wait3A_38, %dma_wait3A_39, %dma_wait3A_40] : memref<8192x20x768xf32, #tpu.memory_space<hbm>> -> memref<8192x16x768xf32, #tpu.memory_space<hbm>>
      tpu.wait_indirect_dma semaphore(%arg9 : memref<!tpu.dma_semaphore, #tpu.memory_space<semaphore_mem>>) src(%dma_wait3A_41 : memref<8192x16x768xf32, #tpu.memory_space<hbm>>) dst(%arg7 : memref<4x16x768xf32, #tpu.memory_space<vmem>>)
      %mul3A_42 = arith.constant 4 : i32
      %mul3A_43 = arith.muli %add3A_12, %mul3A_42 : i32
      %add3A_44 = arith.addi %mul3A_2, %mul3A_43 : i32
      "tpu.region"() ({
        %run_scoped3A = tpu.sem_alloc : memref<!tpu.dma_semaphore, #tpu.memory_space<semaphore_mem>>
        %dma_start3A_45 = arith.constant 0 : i32
        %dma_start3A_46 = arith.constant 0 : i32
        %dma_start3A_47 = tpu.memref_slice %arg4[%add3A_44, %dma_start3A_45, %dma_start3A_46] : memref<4096x16x768xf32, #tpu.memory_space<hbm>> -> memref<4x16x768xf32, #tpu.memory_space<hbm>>
        %dma_start3A_48 = arith.constant 0 : i32
        %dma_start3A_49 = arith.constant 0 : i32
        %dma_start3A_50 = tpu.memref_slice %arg4[%add3A_44, %dma_start3A_48, %dma_start3A_49] : memref<4096x16x768xf32, #tpu.memory_space<hbm>> -> memref<4x16x768xf32, #tpu.memory_space<hbm>>
        tpu.enqueue_dma source(%arg7 : memref<4x16x768xf32, #tpu.memory_space<vmem>>) target(%dma_start3A_50 : memref<4x16x768xf32, #tpu.memory_space<hbm>>) target_semaphore(%run_scoped3A : memref<!tpu.dma_semaphore, #tpu.memory_space<semaphore_mem>>)
        %dma_wait3A_51 = arith.constant 0 : i32
        %dma_wait3A_52 = arith.constant 0 : i32
        %dma_wait3A_53 = tpu.memref_slice %arg4[%add3A_44, %dma_wait3A_51, %dma_wait3A_52] : memref<4096x16x768xf32, #tpu.memory_space<hbm>> -> memref<4x16x768xf32, #tpu.memory_space<hbm>>
        %dma_wait3A_54 = arith.constant 0 : i32
        %dma_wait3A_55 = arith.constant 0 : i32
        %dma_wait3A_56 = tpu.memref_slice %arg4[%add3A_44, %dma_wait3A_54, %dma_wait3A_55] : memref<4096x16x768xf32, #tpu.memory_space<hbm>> -> memref<4x16x768xf32, #tpu.memory_space<hbm>>
        tpu.wait_dma2 semaphore(%run_scoped3A : memref<!tpu.dma_semaphore, #tpu.memory_space<semaphore_mem>>) src(%arg7 : memref<4x16x768xf32, #tpu.memory_space<vmem>>) dst(%dma_wait3A_56 : memref<4x16x768xf32, #tpu.memory_space<hbm>>)
        tpu.yield
      }) : () -> ()
    }
    %scan3A_7 = arith.constant 16 : i32
    return
  }
}

#map = affine_map<(d0, d1) -> (0, 0, 0)>
module attributes {stable_mosaic.version = 14 : i64} {
  func.func @_sc_tail(%arg0: i32, %arg1: i32, %arg2: memref<8192x8x768xf32, #tpu.memory_space<hbm>>, %arg3: memref<32x8x16xi32, #tpu.memory_space<hbm>>, %arg4: memref<4096x8x768xf32, #tpu.memory_space<hbm>>, %arg5: memref<8x16xi32, #tpu.memory_space<vmem>>, %arg6: memref<16x8x768xf32, #tpu.memory_space<vmem>>, %arg7: memref<!tpu.dma_semaphore, #tpu.memory_space<semaphore_mem>>) attributes {dimension_semantics = [#tpu.dimension_semantics<core_parallel>, #tpu.dimension_semantics<subcore_parallel>], iteration_bounds = array<i64: 2, 16>, scalar_prefetch = 0 : i64, scratch_operands = 3 : i64, tpu.core_type = #tpu.core_type<sc_vector_subcore>, window_params = [{transform_indices = #map}, {transform_indices = #map}, {transform_indices = #map}]} {
    %mul3A = arith.constant 2 : i32
    %mul3A_0 = arith.muli %arg1, %mul3A : i32
    %add3A = arith.addi %mul3A_0, %arg0 : i32
    %mul3A_1 = arith.constant 128 : i32
    %mul3A_2 = arith.muli %add3A, %mul3A_1 : i32
    "tpu.region"() ({
      %run_scoped3A = tpu.sem_alloc : memref<!tpu.dma_semaphore, #tpu.memory_space<semaphore_mem>>
      %dma_start3A = arith.constant 0 : i32
      %dma_start3A_8 = arith.constant 0 : i32
      %dma_start3A_9 = tpu.memref_slice %arg3[%add3A, %dma_start3A, %dma_start3A_8] : memref<32x8x16xi32, #tpu.memory_space<hbm>> -> memref<1x8x16xi32, #tpu.memory_space<hbm>>
      %dma_start3A_10 = tpu.memref_squeeze %dma_start3A_9 : memref<1x8x16xi32, #tpu.memory_space<hbm>> -> memref<8x16xi32, #tpu.memory_space<hbm>>
      %dma_start3A_11 = arith.constant 0 : i32
      %dma_start3A_12 = arith.constant 0 : i32
      %dma_start3A_13 = tpu.memref_slice %arg3[%add3A, %dma_start3A_11, %dma_start3A_12] : memref<32x8x16xi32, #tpu.memory_space<hbm>> -> memref<1x8x16xi32, #tpu.memory_space<hbm>>
      %dma_start3A_14 = tpu.memref_squeeze %dma_start3A_13 : memref<1x8x16xi32, #tpu.memory_space<hbm>> -> memref<8x16xi32, #tpu.memory_space<hbm>>
      tpu.enqueue_dma source(%dma_start3A_14 : memref<8x16xi32, #tpu.memory_space<hbm>>) target(%arg5 : memref<8x16xi32, #tpu.memory_space<vmem>>) target_semaphore(%run_scoped3A : memref<!tpu.dma_semaphore, #tpu.memory_space<semaphore_mem>>)
      %dma_wait3A = arith.constant 0 : i32
      %dma_wait3A_15 = arith.constant 0 : i32
      %dma_wait3A_16 = tpu.memref_slice %arg3[%add3A, %dma_wait3A, %dma_wait3A_15] : memref<32x8x16xi32, #tpu.memory_space<hbm>> -> memref<1x8x16xi32, #tpu.memory_space<hbm>>
      %dma_wait3A_17 = tpu.memref_squeeze %dma_wait3A_16 : memref<1x8x16xi32, #tpu.memory_space<hbm>> -> memref<8x16xi32, #tpu.memory_space<hbm>>
      %dma_wait3A_18 = arith.constant 0 : i32
      %dma_wait3A_19 = arith.constant 0 : i32
      %dma_wait3A_20 = tpu.memref_slice %arg3[%add3A, %dma_wait3A_18, %dma_wait3A_19] : memref<32x8x16xi32, #tpu.memory_space<hbm>> -> memref<1x8x16xi32, #tpu.memory_space<hbm>>
      %dma_wait3A_21 = tpu.memref_squeeze %dma_wait3A_20 : memref<1x8x16xi32, #tpu.memory_space<hbm>> -> memref<8x16xi32, #tpu.memory_space<hbm>>
      tpu.wait_dma2 semaphore(%run_scoped3A : memref<!tpu.dma_semaphore, #tpu.memory_space<semaphore_mem>>) src(%dma_wait3A_21 : memref<8x16xi32, #tpu.memory_space<hbm>>) dst(%arg5 : memref<8x16xi32, #tpu.memory_space<vmem>>)
      tpu.yield
    }) : () -> ()
    %scan3A = arith.constant 0 : i32
    %scan3A_3 = arith.constant 0 : i32
    %scan3A_4 = arith.constant 8 : i32
    %scan3A_5 = arith.addi %scan3A_3, %scan3A_4 : i32
    %scan3A_6 = arith.constant 1 : i32
    scf.for %scan3A_8 = %scan3A_3 to %scan3A_5 step %scan3A_6  : i32 {
      %dma_start3A = arith.constant 0 : i32
      %dma_start3A_9 = tpu.memref_slice %arg5[%scan3A_8, %dma_start3A] : memref<8x16xi32, #tpu.memory_space<vmem>> -> memref<1x16xi32, #tpu.memory_space<vmem>>
      %dma_start3A_10 = tpu.memref_squeeze %dma_start3A_9 : memref<1x16xi32, #tpu.memory_space<vmem>> -> memref<16xi32, #tpu.memory_space<vmem>>
      %dma_start3A_11 = arith.constant 0 : i32
      %dma_start3A_12 = arith.constant 0 : i32
      %dma_start3A_13 = arith.constant 0 : i32
      %dma_start3A_14 = tpu.memref_slice %arg2[%dma_start3A_11, %dma_start3A_12, %dma_start3A_13] : memref<8192x8x768xf32, #tpu.memory_space<hbm>> -> memref<8192x8x768xf32, #tpu.memory_space<hbm>>
      tpu.enqueue_indirect_dma source(%dma_start3A_14 : memref<8192x8x768xf32, #tpu.memory_space<hbm>>) target(%arg6 : memref<16x8x768xf32, #tpu.memory_space<vmem>>) offsets(%dma_start3A_10 : memref<16xi32, #tpu.memory_space<vmem>>) semaphore(%arg7 : memref<!tpu.dma_semaphore, #tpu.memory_space<semaphore_mem>>)
      %dma_wait3A = arith.constant 0 : i32
      %dma_wait3A_15 = tpu.memref_slice %arg5[%scan3A_8, %dma_wait3A] : memref<8x16xi32, #tpu.memory_space<vmem>> -> memref<1x16xi32, #tpu.memory_space<vmem>>
      %dma_wait3A_16 = tpu.memref_squeeze %dma_wait3A_15 : memref<1x16xi32, #tpu.memory_space<vmem>> -> memref<16xi32, #tpu.memory_space<vmem>>
      %dma_wait3A_17 = arith.constant 0 : i32
      %dma_wait3A_18 = arith.constant 0 : i32
      %dma_wait3A_19 = arith.constant 0 : i32
      %dma_wait3A_20 = tpu.memref_slice %arg2[%dma_wait3A_17, %dma_wait3A_18, %dma_wait3A_19] : memref<8192x8x768xf32, #tpu.memory_space<hbm>> -> memref<8192x8x768xf32, #tpu.memory_space<hbm>>
      tpu.wait_indirect_dma semaphore(%arg7 : memref<!tpu.dma_semaphore, #tpu.memory_space<semaphore_mem>>) src(%dma_wait3A_20 : memref<8192x8x768xf32, #tpu.memory_space<hbm>>) dst(%arg6 : memref<16x8x768xf32, #tpu.memory_space<vmem>>)
      %mul3A_21 = arith.constant 16 : i32
      %mul3A_22 = arith.muli %scan3A_8, %mul3A_21 : i32
      %add3A_23 = arith.addi %mul3A_2, %mul3A_22 : i32
      "tpu.region"() ({
        %run_scoped3A = tpu.sem_alloc : memref<!tpu.dma_semaphore, #tpu.memory_space<semaphore_mem>>
        %dma_start3A_24 = arith.constant 0 : i32
        %dma_start3A_25 = arith.constant 0 : i32
        %dma_start3A_26 = tpu.memref_slice %arg4[%add3A_23, %dma_start3A_24, %dma_start3A_25] : memref<4096x8x768xf32, #tpu.memory_space<hbm>> -> memref<16x8x768xf32, #tpu.memory_space<hbm>>
        %dma_start3A_27 = arith.constant 0 : i32
        %dma_start3A_28 = arith.constant 0 : i32
        %dma_start3A_29 = tpu.memref_slice %arg4[%add3A_23, %dma_start3A_27, %dma_start3A_28] : memref<4096x8x768xf32, #tpu.memory_space<hbm>> -> memref<16x8x768xf32, #tpu.memory_space<hbm>>
        tpu.enqueue_dma source(%arg6 : memref<16x8x768xf32, #tpu.memory_space<vmem>>) target(%dma_start3A_29 : memref<16x8x768xf32, #tpu.memory_space<hbm>>) target_semaphore(%run_scoped3A : memref<!tpu.dma_semaphore, #tpu.memory_space<semaphore_mem>>)
        %dma_wait3A_30 = arith.constant 0 : i32
        %dma_wait3A_31 = arith.constant 0 : i32
        %dma_wait3A_32 = tpu.memref_slice %arg4[%add3A_23, %dma_wait3A_30, %dma_wait3A_31] : memref<4096x8x768xf32, #tpu.memory_space<hbm>> -> memref<16x8x768xf32, #tpu.memory_space<hbm>>
        %dma_wait3A_33 = arith.constant 0 : i32
        %dma_wait3A_34 = arith.constant 0 : i32
        %dma_wait3A_35 = tpu.memref_slice %arg4[%add3A_23, %dma_wait3A_33, %dma_wait3A_34] : memref<4096x8x768xf32, #tpu.memory_space<hbm>> -> memref<16x8x768xf32, #tpu.memory_space<hbm>>
        tpu.wait_dma2 semaphore(%run_scoped3A : memref<!tpu.dma_semaphore, #tpu.memory_space<semaphore_mem>>) src(%arg6 : memref<16x8x768xf32, #tpu.memory_space<vmem>>) dst(%dma_wait3A_35 : memref<16x8x768xf32, #tpu.memory_space<hbm>>)
        tpu.yield
      }) : () -> ()
    }
    %scan3A_7 = arith.constant 8 : i32
    return
  }
}

module attributes {stable_mosaic.version = 14 : i64} {
  func.func @_topk_body(%arg0: i32, %arg1: i32, %arg2: memref<2048x768xf32, #tpu.memory_space<vmem>>, %arg3: memref<1024x768xf32, #tpu.memory_space<vmem>>, %arg4: memref<2048x1xi32, #tpu.memory_space<vmem>>, %arg5: memref<2048x1xf32, #tpu.memory_space<vmem>>, %arg6: memref<2048x1xi32, #tpu.memory_space<vmem>>) attributes {dimension_semantics = [#tpu.dimension_semantics<arbitrary>, #tpu.dimension_semantics<arbitrary>], iteration_bounds = array<i64: 2, 8>, scalar_prefetch = 0 : i64, scratch_operands = 2 : i64, tpu.core_type = #tpu.core_type<tc>, window_params = [{transform_indices = @transform_0, window_bounds = array<i64: 2048, 768>}, {transform_indices = @transform_1, window_bounds = array<i64: 1024, 768>}, {transform_indices = @transform_2, window_bounds = array<i64: 2048, 1>}]} {
    %get3A = arith.constant 0 : index
    %get3A_0 = arith.constant 0 : index
    %get3A_1 = vector.load %arg2[%get3A, %get3A_0] : memref<2048x768xf32, #tpu.memory_space<vmem>>, vector<2048x768xf32>
    %mul3A = arith.mulf %get3A_1, %get3A_1 : vector<2048x768xf32>
    %reduce_sum3A = arith.constant dense<0.000000e+00> : vector<2048xf32>
    %reduce_sum3A_2 = vector.multi_reduction <add>, %mul3A, %reduce_sum3A [1] : vector<2048x768xf32> to vector<2048xf32>
    %broadcast_in_dim3A = vector.shape_cast %reduce_sum3A_2 : vector<2048xf32> to vector<2048x1xf32>
    %sqrt3A = math.sqrt %broadcast_in_dim3A : vector<2048x1xf32>
    %max3A = arith.constant 9.99999996E-13 : f32
    %max3A_3 = vector.broadcast %max3A : f32 to vector<2048x1xf32>
    %max3A_4 = arith.maximumf %sqrt3A, %max3A_3 : vector<2048x1xf32>
    %div3A = vector.broadcast %max3A_4 : vector<2048x1xf32> to vector<2048x768xf32>
    %div3A_5 = arith.divf %get3A_1, %div3A : vector<2048x768xf32>
    %get3A_6 = arith.constant 0 : index
    %get3A_7 = arith.constant 0 : index
    %get3A_8 = vector.load %arg3[%get3A_6, %get3A_7] : memref<1024x768xf32, #tpu.memory_space<vmem>>, vector<1024x768xf32>
    %mul3A_9 = arith.mulf %get3A_8, %get3A_8 : vector<1024x768xf32>
    %reduce_sum3A_10 = arith.constant dense<0.000000e+00> : vector<1024xf32>
    %reduce_sum3A_11 = vector.multi_reduction <add>, %mul3A_9, %reduce_sum3A_10 [1] : vector<1024x768xf32> to vector<1024xf32>
    %broadcast_in_dim3A_12 = vector.shape_cast %reduce_sum3A_11 : vector<1024xf32> to vector<1024x1xf32>
    %sqrt3A_13 = math.sqrt %broadcast_in_dim3A_12 : vector<1024x1xf32>
    %max3A_14 = arith.constant 9.99999996E-13 : f32
    %max3A_15 = vector.broadcast %max3A_14 : f32 to vector<1024x1xf32>
    %max3A_16 = arith.maximumf %sqrt3A_13, %max3A_15 : vector<1024x1xf32>
    %div3A_17 = vector.broadcast %max3A_16 : vector<1024x1xf32> to vector<1024x768xf32>
    %div3A_18 = arith.divf %get3A_8, %div3A_17 : vector<1024x768xf32>
    %dot_general3A = arith.constant dense<0.000000e+00> : vector<2048x1024xf32>
    %dot_general3A_19 = tpu.matmul %div3A_5, %div3A_18, %dot_general3A {dimension_numbers = #tpu.dot_dimension_numbers<[1], [1], [0], [0], [0, 0, 1, 0], [], []>, transpose_lhs_hint = false} : vector<2048x768xf32>, vector<1024x768xf32>, vector<2048x1024xf32> -> vector<2048x1024xf32>
    %reduce_max3A = arith.constant dense<0xFF800000> : vector<2048xf32>
    %reduce_max3A_20 = vector.multi_reduction <maximumf>, %dot_general3A_19, %reduce_max3A [1] : vector<2048x1024xf32> to vector<2048xf32>
    %broadcast_in_dim3A_21 = vector.shape_cast %reduce_max3A_20 : vector<2048xf32> to vector<2048x1xf32>
    %iota3A = tpu.iota {dimensions = array<i32: 1>} : vector<2048x1024xi32>
    %eq3A = vector.broadcast %broadcast_in_dim3A_21 : vector<2048x1xf32> to vector<2048x1024xf32>
    %eq3A_22 = arith.cmpf oeq, %dot_general3A_19, %eq3A : vector<2048x1024xf32>
    %jit3A = arith.constant 8192 : i32
    %broadcast_in_dim3A_23 = vector.broadcast %jit3A : i32 to vector<2048x1024xi32>
    %select_n3A = arith.select %eq3A_22, %iota3A, %broadcast_in_dim3A_23 : vector<2048x1024xi1>, vector<2048x1024xi32>
    %reduce_min3A = arith.constant dense<2147483647> : vector<2048xi32>
    %reduce_min3A_24 = vector.multi_reduction <minsi>, %select_n3A, %reduce_min3A [1] : vector<2048x1024xi32> to vector<2048xi32>
    %broadcast_in_dim3A_25 = vector.shape_cast %reduce_min3A_24 : vector<2048xi32> to vector<2048x1xi32>
    %mul3A_26 = arith.constant 1024 : i32
    %mul3A_27 = arith.muli %arg1, %mul3A_26 : i32
    %add3A = vector.broadcast %mul3A_27 : i32 to vector<2048x1xi32>
    %add3A_28 = arith.addi %broadcast_in_dim3A_25, %add3A : vector<2048x1xi32>
    %eq3A_29 = arith.constant 0 : i32
    %eq3A_30 = arith.cmpi eq, %arg1, %eq3A_29 : i32
    %convert_element_type3A = arith.extui %eq3A_30 : i1 to i32
    %cond3A = arith.constant 0 : i32
    %cond3A_31 = arith.cmpi ne, %convert_element_type3A, %cond3A : i32
    scf.if %cond3A_31 {
      %swap3A = arith.constant 0 : index
      %swap3A_41 = arith.constant 0 : index
      %swap3A_42 = vector.load %arg5[%swap3A, %swap3A_41] : memref<2048x1xf32, #tpu.memory_space<vmem>>, vector<2048x1xf32>
      tpu.vector_store %arg5[%swap3A, %swap3A_41], %broadcast_in_dim3A_21 {strides = array<i32>} : memref<2048x1xf32, #tpu.memory_space<vmem>>, vector<2048x1xf32>,
      %swap3A_43 = arith.constant 0 : index
      %swap3A_44 = arith.constant 0 : index
      %swap3A_45 = vector.load %arg6[%swap3A_43, %swap3A_44] : memref<2048x1xi32, #tpu.memory_space<vmem>>, vector<2048x1xi32>
      tpu.vector_store %arg6[%swap3A_43, %swap3A_44], %add3A_28 {strides = array<i32>} : memref<2048x1xi32, #tpu.memory_space<vmem>>, vector<2048x1xi32>,
    } else {
    }
    %gt3A = arith.constant 0 : i32
    %gt3A_32 = arith.cmpi sgt, %arg1, %gt3A : i32
    %convert_element_type3A_33 = arith.extui %gt3A_32 : i1 to i32
    %cond3A_34 = arith.constant 0 : i32
    %cond3A_35 = arith.cmpi ne, %convert_element_type3A_33, %cond3A_34 : i32
    scf.if %cond3A_35 {
      %get3A_41 = arith.constant 0 : index
      %get3A_42 = arith.constant 0 : index
      %get3A_43 = vector.load %arg5[%get3A_41, %get3A_42] : memref<2048x1xf32, #tpu.memory_space<vmem>>, vector<2048x1xf32>
      %get3A_44 = arith.constant 0 : index
      %get3A_45 = arith.constant 0 : index
      %get3A_46 = vector.load %arg6[%get3A_44, %get3A_45] : memref<2048x1xi32, #tpu.memory_space<vmem>>, vector<2048x1xi32>
      %gt3A_47 = arith.cmpf ogt, %broadcast_in_dim3A_21, %get3A_43 : vector<2048x1xf32>
      %select_n3A_48 = arith.select %gt3A_47, %broadcast_in_dim3A_21, %get3A_43 : vector<2048x1xi1>, vector<2048x1xf32>
      %swap3A = arith.constant 0 : index
      %swap3A_49 = arith.constant 0 : index
      %swap3A_50 = vector.load %arg5[%swap3A, %swap3A_49] : memref<2048x1xf32, #tpu.memory_space<vmem>>, vector<2048x1xf32>
      tpu.vector_store %arg5[%swap3A, %swap3A_49], %select_n3A_48 {strides = array<i32>} : memref<2048x1xf32, #tpu.memory_space<vmem>>, vector<2048x1xf32>,
      %select_n3A_51 = arith.select %gt3A_47, %add3A_28, %get3A_46 : vector<2048x1xi1>, vector<2048x1xi32>
      %swap3A_52 = arith.constant 0 : index
      %swap3A_53 = arith.constant 0 : index
      %swap3A_54 = vector.load %arg6[%swap3A_52, %swap3A_53] : memref<2048x1xi32, #tpu.memory_space<vmem>>, vector<2048x1xi32>
      tpu.vector_store %arg6[%swap3A_52, %swap3A_53], %select_n3A_51 {strides = array<i32>} : memref<2048x1xi32, #tpu.memory_space<vmem>>, vector<2048x1xi32>,
    } else {
    }
    %eq3A_36 = arith.constant 7 : i32
    %eq3A_37 = arith.cmpi eq, %arg1, %eq3A_36 : i32
    %convert_element_type3A_38 = arith.extui %eq3A_37 : i1 to i32
    %cond3A_39 = arith.constant 0 : i32
    %cond3A_40 = arith.cmpi ne, %convert_element_type3A_38, %cond3A_39 : i32
    scf.if %cond3A_40 {
      %get3A_41 = arith.constant 0 : index
      %get3A_42 = arith.constant 0 : index
      %get3A_43 = vector.load %arg6[%get3A_41, %get3A_42] : memref<2048x1xi32, #tpu.memory_space<vmem>>, vector<2048x1xi32>
      %swap3A = arith.constant 0 : index
      %swap3A_44 = arith.constant 0 : index
      %swap3A_45 = vector.load %arg4[%swap3A, %swap3A_44] : memref<2048x1xi32, #tpu.memory_space<vmem>>, vector<2048x1xi32>
      tpu.vector_store %arg4[%swap3A, %swap3A_44], %get3A_43 {strides = array<i32>} : memref<2048x1xi32, #tpu.memory_space<vmem>>, vector<2048x1xi32>,
    } else {
    }
    return
  }
  func.func @transform_0(%arg0: i32, %arg1: i32) -> (i32, i32) {
    %c0_i32 = arith.constant 0 : i32
    %c0_i32_0 = arith.constant 0 : i32
    return %arg0, %c0_i32 : i32, i32
  }
  func.func @transform_1(%arg0: i32, %arg1: i32) -> (i32, i32) {
    %c0_i32 = arith.constant 0 : i32
    %c0_i32_0 = arith.constant 0 : i32
    return %arg1, %c0_i32 : i32, i32
  }
  func.func @transform_2(%arg0: i32, %arg1: i32) -> (i32, i32) {
    %c0_i32 = arith.constant 0 : i32
    %c0_i32_0 = arith.constant 0 : i32
    return %arg0, %c0_i32 : i32, i32
  }
}

</mosaic_0001>

<sc_bundles>
// kernel: kernel.5.cloned.1.call-start
scs
__scs_entry_jumppad:
0x0: {  	(pc) =	sbr.rel $0x88, $3  }
0x1: {  	(tag) =	ssettag $0x0;
	lr =	simm.s32 $0x1  }
0x2: {  	[smem:$0x3F9D] =	sst lr;
	_ =	strace $0xD0000000  }
0x3: {  	_ = 	snop  }
0x4: {  	_ = 	snop  }
0x5: {  	_ = 	snop  }
0x6: {  	_ = 	snop  }
0x7: {  	_ = 	snop  }
__scs_overlays_trampoline_lowered:
0x8: {  	[smem:$0x3FAC] =	sst s0  }
0x9: {  	[smem:$0x3FAD] =	sst s1  }
0xa: {  	[smem:$0x3FAE] =	sst s2  }
0xb: {  	[smem:$0x3FAF] =	sst s3  }
0xc: {  	[smem:$0x3FB0] =	sst s4  }
0xd: {  	[smem:$0x3FB1] =	sst s5  }
0xe: {  	[smem:$0x3FB2] =	sst s6  }
0xf: {  	[smem:$0x3FB3] =	sst s7  }
0x10: {  	[smem:$0x3FB4] =	sst s8  }
0x11: {  	[smem:$0x3FB5] =	sst s9;
	s0 =	simm.s32 @!p0 $0x0  }
0x12: {  	s1 =	sld [smem:$0x3F9B];
	s0 =	simm.s32 @p0 $0x1  }
0x13: {  	[smem:$0x3FB6] =	sst s0;
	s0 =	simm.s32 @!p1 $0x0  }
0x14: {  	s2 =	sld [smem:$0x3F9A];
	s0 =	simm.s32 @p1 $0x1  }
0x15: {  	[smem:$0x3FB7] =	sst s0;
	s0 =	simm.s32 @!p2 $0x0  }
0x16: {  	s3 =	sld [smem:$0x3FDB];
	s0 =	simm.s32 @p2 $0x1  }
0x17: {  	s4 =	simm.s32 $0x1BF5;
	[smem:$0x3FB9] =	sst s0  }
0x18: {  	s0 =	sld [smem:$0x3F9C];
	_ =	swait.ge [sflag:s4], $0x0  }
0x19: {  	s7 =	sld [smem:$0x3F9D]  }
0x1a: {  	s8 =	sadd.s32 $0xFFFFE003, lr  }
0x1b: {  	s9 =	sadd.s32 $0xFFFFFEF7, lr;
	s5 =	simm.s32 $0xFFFFFFFF;
	p2 =	slt.u32 s8, $0xFFFFF086  }
0x1c: {  	p1 =	slt.u32 s9, $0xF7A;
	s5 =	simm.s32 @!p2 $0x0  }
0x1d: {  	s5 =	simm.s32 @p1 $0x1;
	p0 =	seq.s32 s7, s2  }
0x1e: {  	s7 =	smul.u32 @!p0 $0xF7A, s2;
	p2 =	seq.s32 @!p0 s5, $0x0  }
0x1f: {  	s9 =	smul.u32 $0xF7A, s1;
	s8 =	simm.s32 @!p0 $0x1BF5;
	p2 =	por !p2, p0  }
0x20: {  	[sflag:s8] =	ssyncset.s32 @!p0 $0xFFFFF086;
	s6 =	sadd.s32 @!p0 s3, s7;
	s7 =	simm.s32 @!p0 $0x108  }
0x21: {  	s3 =	sadd.s32 s3, s9;
	s6 =	sadd.s32 @!p0 $0x88, s6;
	s7 =	simm.s32 @p2 $0x1082  }
0x22: {  	[simem:s7], [sflag:s8] =	dma.local @!p0 [hbm:s6], $0xF7A  }
0x23: {  	s9 =	sor.u32 $0xD0000000, s2;
	s6 =	simm.s32 $0x108;
	_ =	swait.ge @!p0 [sflag:s8], $0x0  }
0x24: {  	s3 =	sadd.s32 $0x88, s3;
	s6 =	simm.s32 @!p1 $0x1082;
	[sflag:s4] =	ssyncset.s32 $0xFFFFF086  }
0x25: {  	[simem:s6], [sflag:s4] =	dma.local [hbm:s3], $0xF7A  }
0x26: {  	[smem:$0x3F9D] =	sst s1;
	(tag) =	ssettag s2;
	_ =	strace s9  }
0x27: {  	s1 =	sld [smem:$0x3FAD]  }
0x28: {  	s2 =	sld [smem:$0x3FAE]  }
0x29: {  	s4 =	sld [smem:$0x3FB0]  }
0x2a: {  	p0 =	seq.s32 s5, $0x0;
	s5 =	sld [smem:$0x3FB1]  }
0x2b: {  	s6 =	sld [smem:$0x3FB2]  }
0x2c: {  	s7 =	sld [smem:$0x3FB3]  }
0x2d: {  	s3 =	simm.s32 $0x108;
	s8 =	sld [smem:$0x3FB4]  }
0x2e: {  	s3 =	simm.s32 @!p0 $0x1082;
	s9 =	sld [smem:$0x3FB5]  }
0x2f: {  	lr =	sadd.s32 s0, s3;
	s0 =	sld [smem:$0x3FAC]  }
0x30: {  	s3 =	sld [smem:$0x3FAF]  }
0x31: {  	[smem:$0x3FB8] =	sst s10  }
0x32: {  	s10 =	sld [smem:$0x3FB6];
	_ =	sdelay $0x3  }
0x33: {  	p0 =	seq.s32 s10, $0x1;
	s10 =	sld [smem:$0x3FB8];
	_ =	sdelay $0x3  }
0x34: {  	[smem:$0x3FB8] =	sst s10  }
0x35: {  	s10 =	sld [smem:$0x3FB7];
	_ =	sdelay $0x3  }
0x36: {  	p1 =	seq.s32 s10, $0x1;
	s10 =	sld [smem:$0x3FB8];
	_ =	sdelay $0x3  }
0x37: {  	[smem:$0x3FB8] =	sst s10  }
0x38: {  	s10 =	sld [smem:$0x3FB9]  }
0x39: {  	_ = 	snop;
	(pc) =	sbr.ind lr, $3  }
0x3a: {  	_ = 	snop  }
0x3b: {  	_ = 	snop  }
0x3c: {  	p2 =	seq.s32 s10, $0x1;
	s10 =	sld [smem:$0x3FB8]  }
0x3d: {  	_ =	shalt  }
0x3e: {  	_ =	shalt  }
0x3f: {  	_ =	shalt  }
0x40: {  	_ =	shalt  }
0x41: {  	_ =	shalt  }
0x42: {  	_ =	shalt  }
0x43: {  	_ =	shalt  }
0x44: {  	_ =	shalt  }
0x45: {  	_ =	shalt  }
0x46: {  	_ =	shalt  }
0x47: {  	_ =	shalt  }
0x48: {  	_ =	shalt  }
0x49: {  	_ =	shalt  }
0x4a: {  	_ =	shalt  }
0x4b: {  	_ =	shalt  }
0x4c: {  	_ =	shalt  }
0x4d: {  	_ =	shalt  }
0x4e: {  	_ =	shalt  }
0x4f: {  	_ =	shalt  }
0x50: {  	_ =	shalt  }
0x51: {  	_ =	shalt  }
0x52: {  	_ =	shalt  }
0x53: {  	_ =	shalt  }
0x54: {  	_ =	shalt  }
0x55: {  	_ =	shalt  }
0x56: {  	_ =	shalt  }
0x57: {  	_ =	shalt  }
0x58: {  	_ =	shalt  }
0x59: {  	_ =	shalt  }
0x5a: {  	_ =	shalt  }
0x5b: {  	_ =	shalt  }
0x5c: {  	_ =	shalt  }
0x5d: {  	_ =	shalt  }
0x5e: {  	_ =	shalt  }
0x5f: {  	_ =	shalt  }
0x60: {  	_ =	shalt  }
0x61: {  	_ =	shalt  }
0x62: {  	_ =	shalt  }
0x63: {  	_ =	shalt  }
0x64: {  	_ =	shalt  }
0x65: {  	_ =	shalt  }
0x66: {  	_ =	shalt  }
0x67: {  	_ =	shalt  }
0x68: {  	_ =	shalt  }
0x69: {  	_ =	shalt  }
0x6a: {  	_ =	shalt  }
0x6b: {  	_ =	shalt  }
0x6c: {  	_ =	shalt  }
0x6d: {  	_ =	shalt  }
0x6e: {  	_ =	shalt  }
0x6f: {  	_ =	shalt  }
0x70: {  	_ =	shalt  }
0x71: {  	_ =	shalt  }
0x72: {  	_ =	shalt  }
0x73: {  	_ =	shalt  }
0x74: {  	_ =	shalt  }
0x75: {  	_ =	shalt  }
0x76: {  	_ =	shalt  }
0x77: {  	_ =	shalt  }
0x78: {  	_ =	shalt  }
0x79: {  	_ =	shalt  }
0x7a: {  	_ =	shalt  }
0x7b: {  	_ =	shalt  }
0x7c: {  	_ =	shalt  }
0x7d: {  	_ =	shalt  }
0x7e: {  	_ =	shalt  }
0x7f: {  	_ =	shalt  }
0x80: {  	_ =	shalt  }
0x81: {  	_ =	shalt  }
0x82: {  	_ =	shalt  }
0x83: {  	_ =	shalt  }
0x84: {  	_ =	shalt  }
0x85: {  	_ =	shalt  }
0x86: {  	_ =	shalt  }
0x87: {  	_ =	shalt  }
.Lfunc_end0:
.L_simem_size_0:
called_computation.2_lowered:
.L_overlay_start_0:
0x88: {  	s2 =	sld [smem:$0x3FD9]  }
0x89: {  	s3 =	sld [smem:$0x3FFE];
	_ =	sdelay $0x1  }
0x8a: {  	s1 =	srdreg.scid  }
0x8b: {  	s0 =	sand.u32 $0x1, s1  }
0x8c: {  	s14 =	sshll.u32 s0, $0xA;
	s2 =	sadd.s32 s3, s2  }
0x8d: {  	s2 =	sadd.s32 s2, s14  }
0x8e: {  	[smem:$0x3FC4] =	sst s2  }
0x8f: {  	_ = 	snop  }
0x90: {  	s2 =	sld [smem:$0x3FD0];
	_ =	sdelay $0x2  }
0x91: {  	s15 =	simm.s32 $0xB;
	s4 =	simm.s32 $0x10  }
0x92: {  	[smem:s4], [sflag:s15] =	dma.local [hbm:s2], $0x1  }
0x93: {  	_ =	swait.eq [sflag:s15], $0x1  }
0x94: {  	[sflag:s15] =	ssyncset.done $0x0  }
0x95: {  	[sflag:s15] =	ssyncadd.s32 $0xFFFFFFFF  }
0x96: {  	s16 =	sld [smem:$0x10];
	(tm) =	ssettm $0x1  }
0x97: {  	s17 =	sld [smem:$0x3FFB];
	_ =	sdelay $0x3  }
0x98: {  	_ =	strace s17  }
0x99: {  	s3 =	sld [smem:$0x3FFC];
	_ =	sdelay $0x3  }
0x9a: {  	_ =	strace s3  }
0x9b: {  	s3 =	sld [smem:$0x3FFD];
	_ =	sdelay $0x3  }
0x9c: {  	_ =	strace s3  }
0x9d: {  	_ =	strace $0x8FFFFFFF  }
0x9e: {  	s18 =	sld [smem:$0x3FDB];
	_ =	sdelay $0x1  }
0x9f: {  	s19 =	simm.s32 $_scs_section_size  }
0xa0: {  	s5 =	simm.s32 $_size__tile_overlayer_lowered;
	s6 =	simm.s32 $_tile_overlayer_lowered  }
0xa1: {  	s22 =	simm.s32 $0x1BFF;
	s21 =	sshll.u32 s6, $0x1;
	s3 =	sadd.s32 s19, s18  }
0xa2: {  	s7 =	simm.s32 $0x0;
	s20 =	sshll.u32 s5, $0x1;
	s5 =	sadd.s32 s21, s3  }
0xa3: {  	[timem:s7], [sflag:s22] =	dma.local [hbm:s5], s20  }
0xa4: {  	_ =	swait.ge [sflag:s22], s20  }
0xa5: {  	s4 =	ssub.s32 $0x0, s20;
	[sflag:s22] =	ssyncset.done $0x0  }
0xa6: {  	[sflag:s22] =	ssyncadd.s32 s4;
	_ =	sdelay $0x1  }
0xa7: {  	s23 =	simm.s32 $0x1B8B  }
0xa8: {  	_ =	swait.ge [sflag:s23], $0x1  }
0xa9: {  	[sflag:s23] =	ssyncset.done $0x0  }
0xaa: {  	s25 =	simm.s32 $0x1B8E;
	s24 =	sld [smem:$0x3FFE];
	[sflag:s23] =	ssyncadd.s32 $0xFFFFFFFF  }
0xab: {  	s26 =	simm.s32 $execute0_lowered;
	[smem:$0x3FD2] =	sst s25  }
0xac: {  	s5 =	sshll.u32 s26, $0x1;
	_ =	strace $0x80000046;
	[dreg:$0x1] =	wrdreg $0xFFFFFFFF  }
0xad: {  	s28 =	simm.s32 $_size_execute0_lowered;
	s3 =	sadd.s32 s3, s5;
	[dreg:$0x0] =	wrdreg $0x0  }
0xae: {  	s5 =	sshll.u32 s28, $0x1;
	[dreg:$0x2] =	wrdreg s3  }
0xaf: {  	[dreg:$0x3] =	wrdreg s5  }
0xb0: {  	[dreg:$0x4] =	wrdreg $0xC0  }
0xb1: {  	_ =	task [dreg:s7], $0x5FFFF  }
0xb2: {  	[dreg:$0x1] =	wrdreg $0xFFFFFFFF  }
0xb3: {  	[dreg:$0x0] =	wrdreg $0x60  }
0xb4: {  	[dreg:$0x2] =	wrdreg s24  }
0xb5: {  	[dreg:$0x3] =	wrdreg s16  }
0xb6: {  	[dreg:$0x4] =	wrdreg $0x9  }
0xb7: {  	_ =	task.clear_ibuf [dreg:s7], $0x5FFFF;
	_ =	strace $0x90000046  }
0xb8: {  	s29 =	simm.s32 $0x9;
	_ =	strace $0x80000048  }
0xb9: {  	_ =	swait.ge [sflag:s29], $0x1  }
0xba: {  	[sflag:s29] =	ssyncadd.s32 $0xFFFFFFFF  }
0xbb: {  	_ =	strace $0x90000048  }
0xbc: {  	_ =	sfence  }
0xbd: {  	s30 =	sld [smem:$0x0];
	_ =	sdelay $0x2  }
0xbe: {  	s31 =	sshll.u32 s1, $0xD;
	s1 =	sshrl.u32 s1, $0x2  }
0xbf: {  	s3 =	sand.u32 $0x4000, s31;
	s1 =	sadd.s32 s1, s30  }
0xc0: {  	s0 =	sor.u32 s3, s0;
	s1 =	sshll.u32 s1, $0x11  }
0xc1: {  	s0 =	sor.u32 s1, s0  }
0xc2: {  	s0 =	sadd.s32 $0x8F2B, s0  }
0xc3: {  	[sflag:s0] =	ssyncadd.remote.s32 $0x1  }
0xc4: {  	_ =	sfence.sel $0xFFFF  }
0xc5: {  	[dreg:$0x0] =	wrdreg $0xFFFFFFFF;
	(pc) =	sbr.abs _section_cstart, $3  }
0xc6: {  	[dreg:$0x1] =	wrdreg $0xFFFFFFFF  }
0xc7: {  	_ =	task.clear_ibuf [dreg:s7], $0x2FFFF;
	_ =	strace $0x9FFFFFFF  }
0xc8: {  	(tm) =	ssettm $0x7FFFFFFF  }
0xc9: {  	_ =	shalt  }
tec
execute0_lowered:
.L_overlay_start_1:
0x0: {  	(tag) =	ssettag $0x1  }
0x1: {  	s4 =	rddreg [dreg:$0x0]  }
0x2: {  	s5 =	rddreg [dreg:$0x1]  }
0x3: {  	s0 =	rddreg [dreg:$0x2];
	s2 =	simm.s32 $0x0;
	s1 =	stileid.u32  }
0x4: {  	s7 =	srdreg.scid;
	s11 =	simm.s32 $0x2;
	s12 =	simm.s32 $0x0  }
0x5: {  	[smem:$0x7FF] =	sst s2;
	s6 =	smul.u32 $0x60000, s1;
	s3 =	sadd.s32 $0x1200, s4  }
0x6: {  	s7 =	sand.u32 $0x1, s7;
	s10 =	sshll.u32 s1, $0xA;
	_ =	strace $0x80000047  }
0x7: {  	s31 =	ssub.s32 $0x2, s7;
	s8 =	smul.u32 $0x30000, s7;
	s7 =	sshll.u32 s7, $0x9  }
0x8: {  	s4 =	sadd.s32 s6, s4;
	s9 =	sshrl.u32 s31, $0x1;
	s7 =	sor.u32 s7, s10  }
0x9: {  	s10 =	simm.s32 $0x1;
	s6 =	ssub.s32 s31, s9;
	s8 =	sadd.s32 s8, s4  }
0xa: {  	s4 =	sadd.s32 s5, s7;
	s7 =	simm.s32 $0x3;
	s9 =	simm.s32 $0xD000  }
0xb: {  	vm0 =	vmmov $0xf;
	v0 =	vlaneseq.u32;
	s5 =	smax.u32 s6, $0x1;
	s6 =	sadd.s32 $0x1201200, s8;
	s8 =	simm.s32 $0x1000  }
.LBB2_1:
0xc: {  	[tilespmem:s2], [sflag:$0x3] =	stream.linear.gather [hbm4b:s4+s2], $0x1000, $0x38;
	[tilespmem:$0x19000] =	vst v63  }
0xd: {  	_ =	swait.ge [sflag:s7], $0x1000  }
0xe: {  	[sflag:s7] =	ssyncset.done $0x0  }
0xf: {  	s13 =	smov.u32 s6;
	s14 =	simm.s32 $0x0;
	[sflag:s7] =	ssyncadd.s32 $0xFFFFF000  }
.LBB2_2:
0x10: {  	s15 =	sshra.s32 s14, $0x2  }
0x11: {  	v1 =	vld.msk [tilespmem:s15+$0x0], $0xf;
	_ =	sdelay $0x4  }
0x12: {  	v1 =	vmul.u32 $0x4800, v1;
	_ =	sdelay $0x1  }
0x13: {  	v1 =	vperm.xlane v1, v0;
	_ =	sdelay $0x5  }
0x14: {  	[tilespmem:s8], [sflag:$0x1] =	stream.indirect_vreg.gather [hbm4b:s3+s2], $0x3000, v1, vm0, $0x38;
	[tilespmem:$0x19000] =	vst v63  }
0x15: {  	v1 =	vld.msk [tilespmem:s15+$0x80], $0xf;
	_ =	sdelay $0x4  }
0x16: {  	v1 =	vmul.u32 $0x4800, v1;
	_ =	sdelay $0x1  }
0x17: {  	v1 =	vperm.xlane v1, v0;
	_ =	sdelay $0x5  }
0x18: {  	[tilespmem:s9], [sflag:$0x2] =	stream.indirect_vreg.gather [hbm4b:s3+s2], $0x3000, v1, vm0, $0x38;
	[tilespmem:$0x19000] =	vst v63  }
0x19: {  	_ =	swait.ge [sflag:s10], $0xC000  }
0x1a: {  	[sflag:s10] =	ssyncset.done $0x0  }
0x1b: {  	[sflag:s10] =	ssyncadd.s32 $0xFFFF4000  }
0x1c: {  	[hbm4b:s13+s2] =	stream.linear.scatter [tilespmem:s8], [sflag:$0x3], $0xC000, $0x38;
	[tilespmem:$0x19000] =	vst v63  }
0x1d: {  	_ =	swait.ge [sflag:s7], $0xC000  }
0x1e: {  	[sflag:s7] =	ssyncset.done $0x0  }
0x1f: {  	[sflag:s7] =	ssyncadd.s32 $0xFFFF4000  }
0x20: {  	_ =	swait.ge [sflag:s11], $0xC000  }
0x21: {  	p0 =	sne.s32 s14, $0x3C00;
	[sflag:s11] =	ssyncset.done $0x0  }
.Ltmp0:
0x22: {  	s31 =	sadd.s32 $0x1800, s13;
	[sflag:s11] =	ssyncadd.s32 $0xFFFF4000;
	(pc) =	sbr.rel @p0 .LBB2_2-.Ltmp0, $4  }
0x23: {  	[hbm4b:s31+s2] =	stream.linear.scatter [tilespmem:s9], [sflag:$0x3], $0xC000, $0x38;
	[tilespmem:$0x19000] =	vst v63  }
0x24: {  	_ =	swait.ge [sflag:s7], $0xC000  }
0x25: {  	[sflag:s7] =	ssyncset.done $0x0  }
0x26: {  	s14 =	sadd.s32 $0x400, s14;
	s13 =	sadd.s32 $0x3000, s13;
	[sflag:s7] =	ssyncadd.s32 $0xFFFF4000  }
0x27: {  	s12 =	sadd.s32 $0x1, s12  }
0x28: {  	p0 =	sne.s32 s12, s5  }
.Ltmp1:
0x29: {  	_ = 	snop;
	(pc) =	sbr.rel @p0 .LBB2_1-.Ltmp1, $1  }
0x2a: {  	_ =	sdelay $0x3  }
0x2b: {  	_ =	sfence.sel $0x180000  }
0x2c: {  	[bflag:$0x0] =	sbarrier.arrive $0xFFFF  }
0x2d: {  	p0 =	sne.s32 s1, $0x0;
	_ =	strace $0x90000047  }
0x2e: {  	s0 =	sadd.s32 @!p0 $0x100000, s0;
	[bflag:$0x2] =	sbarrier.arrive $0xFFFF  }
0x2f: {  	[sflag:s0] =	ssyncadd.tile.s32 @!p0 $0x1;
	_ =	shalt  }
.Lfunc_end2:
_tile_overlayer_lowered:
.L_overlay_start_2:
0x30: {  	(tag) =	ssettag $0x2  }
0x31: {  	s0 =	rddreg [dreg:$0x0];
	s2 =	stileid.u32  }
0x32: {  	s1 =	rddreg [dreg:$0x1];
	p0 =	sne.s32 s2, $0x0  }
0x33: {  	s3 =	rddreg [dreg:$0x2];
	[bflag:$0x3] =	sbarrier.arrive $0xFFFF;
	s2 =	simm.s32 @!p0 $0x1C03  }
0x34: {  	[timem:s3], [sflag:s2] =	dma.local @!p0 [hbm:s0], s1  }
0x35: {  	s0 =	simm.s32 @!p0 $0x3  }
0x36: {  	_ =	swait.ge @!p0 [sflag:s0], s1  }
0x37: {  	s1 =	ssub.s32 @!p0 $0x0, s1;
	[sflag:s0] =	ssyncset.done @!p0 $0x0  }
0x38: {  	[sflag:s0] =	ssyncadd.s32 @!p0 s1  }
0x39: {  	[bflag:$0x3] =	sbarrier.arrive $0xFFFF  }
0x3a: {  	_ =	shalt  }

// kernel: kernel.8.cloned.1.call-start
scs
__scs_entry_jumppad:
0x0: {  	(pc) =	sbr.rel $0x88, $3  }
0x1: {  	(tag) =	ssettag $0x0;
	lr =	simm.s32 $0x1  }
0x2: {  	[smem:$0x3F9D] =	sst lr;
	_ =	strace $0xD0000000  }
0x3: {  	_ = 	snop  }
0x4: {  	_ = 	snop  }
0x5: {  	_ = 	snop  }
0x6: {  	_ = 	snop  }
0x7: {  	_ = 	snop  }
__scs_overlays_trampoline_lowered:
0x8: {  	[smem:$0x3FAC] =	sst s0  }
0x9: {  	[smem:$0x3FAD] =	sst s1  }
0xa: {  	[smem:$0x3FAE] =	sst s2  }
0xb: {  	[smem:$0x3FAF] =	sst s3  }
0xc: {  	[smem:$0x3FB0] =	sst s4  }
0xd: {  	[smem:$0x3FB1] =	sst s5  }
0xe: {  	[smem:$0x3FB2] =	sst s6  }
0xf: {  	[smem:$0x3FB3] =	sst s7  }
0x10: {  	[smem:$0x3FB4] =	sst s8  }
0x11: {  	[smem:$0x3FB5] =	sst s9;
	s0 =	simm.s32 @!p0 $0x0  }
0x12: {  	s1 =	sld [smem:$0x3F9B];
	s0 =	simm.s32 @p0 $0x1  }
0x13: {  	[smem:$0x3FB6] =	sst s0;
	s0 =	simm.s32 @!p1 $0x0  }
0x14: {  	s2 =	sld [smem:$0x3F9A];
	s0 =	simm.s32 @p1 $0x1  }
0x15: {  	[smem:$0x3FB7] =	sst s0;
	s0 =	simm.s32 @!p2 $0x0  }
0x16: {  	s3 =	sld [smem:$0x3FDB];
	s0 =	simm.s32 @p2 $0x1  }
0x17: {  	s4 =	simm.s32 $0x1BF5;
	[smem:$0x3FB9] =	sst s0  }
0x18: {  	s0 =	sld [smem:$0x3F9C];
	_ =	swait.ge [sflag:s4], $0x0  }
0x19: {  	s7 =	sld [smem:$0x3F9D]  }
0x1a: {  	s8 =	sadd.s32 $0xFFFFE003, lr  }
0x1b: {  	s9 =	sadd.s32 $0xFFFFFEF7, lr;
	s5 =	simm.s32 $0xFFFFFFFF;
	p2 =	slt.u32 s8, $0xFFFFF086  }
0x1c: {  	p1 =	slt.u32 s9, $0xF7A;
	s5 =	simm.s32 @!p2 $0x0  }
0x1d: {  	s5 =	simm.s32 @p1 $0x1;
	p0 =	seq.s32 s7, s2  }
0x1e: {  	s7 =	smul.u32 @!p0 $0xF7A, s2;
	p2 =	seq.s32 @!p0 s5, $0x0  }
0x1f: {  	s9 =	smul.u32 $0xF7A, s1;
	s8 =	simm.s32 @!p0 $0x1BF5;
	p2 =	por !p2, p0  }
0x20: {  	[sflag:s8] =	ssyncset.s32 @!p0 $0xFFFFF086;
	s6 =	sadd.s32 @!p0 s3, s7;
	s7 =	simm.s32 @!p0 $0x108  }
0x21: {  	s3 =	sadd.s32 s3, s9;
	s6 =	sadd.s32 @!p0 $0x88, s6;
	s7 =	simm.s32 @p2 $0x1082  }
0x22: {  	[simem:s7], [sflag:s8] =	dma.local @!p0 [hbm:s6], $0xF7A  }
0x23: {  	s9 =	sor.u32 $0xD0000000, s2;
	s6 =	simm.s32 $0x108;
	_ =	swait.ge @!p0 [sflag:s8], $0x0  }
0x24: {  	s3 =	sadd.s32 $0x88, s3;
	s6 =	simm.s32 @!p1 $0x1082;
	[sflag:s4] =	ssyncset.s32 $0xFFFFF086  }
0x25: {  	[simem:s6], [sflag:s4] =	dma.local [hbm:s3], $0xF7A  }
0x26: {  	[smem:$0x3F9D] =	sst s1;
	(tag) =	ssettag s2;
	_ =	strace s9  }
0x27: {  	s1 =	sld [smem:$0x3FAD]  }
0x28: {  	s2 =	sld [smem:$0x3FAE]  }
0x29: {  	s4 =	sld [smem:$0x3FB0]  }
0x2a: {  	p0 =	seq.s32 s5, $0x0;
	s5 =	sld [smem:$0x3FB1]  }
0x2b: {  	s6 =	sld [smem:$0x3FB2]  }
0x2c: {  	s7 =	sld [smem:$0x3FB3]  }
0x2d: {  	s3 =	simm.s32 $0x108;
	s8 =	sld [smem:$0x3FB4]  }
0x2e: {  	s3 =	simm.s32 @!p0 $0x1082;
	s9 =	sld [smem:$0x3FB5]  }
0x2f: {  	lr =	sadd.s32 s0, s3;
	s0 =	sld [smem:$0x3FAC]  }
0x30: {  	s3 =	sld [smem:$0x3FAF]  }
0x31: {  	[smem:$0x3FB8] =	sst s10  }
0x32: {  	s10 =	sld [smem:$0x3FB6];
	_ =	sdelay $0x3  }
0x33: {  	p0 =	seq.s32 s10, $0x1;
	s10 =	sld [smem:$0x3FB8];
	_ =	sdelay $0x3  }
0x34: {  	[smem:$0x3FB8] =	sst s10  }
0x35: {  	s10 =	sld [smem:$0x3FB7];
	_ =	sdelay $0x3  }
0x36: {  	p1 =	seq.s32 s10, $0x1;
	s10 =	sld [smem:$0x3FB8];
	_ =	sdelay $0x3  }
0x37: {  	[smem:$0x3FB8] =	sst s10  }
0x38: {  	s10 =	sld [smem:$0x3FB9]  }
0x39: {  	_ = 	snop;
	(pc) =	sbr.ind lr, $3  }
0x3a: {  	_ = 	snop  }
0x3b: {  	_ = 	snop  }
0x3c: {  	p2 =	seq.s32 s10, $0x1;
	s10 =	sld [smem:$0x3FB8]  }
0x3d: {  	_ =	shalt  }
0x3e: {  	_ =	shalt  }
0x3f: {  	_ =	shalt  }
0x40: {  	_ =	shalt  }
0x41: {  	_ =	shalt  }
0x42: {  	_ =	shalt  }
0x43: {  	_ =	shalt  }
0x44: {  	_ =	shalt  }
0x45: {  	_ =	shalt  }
0x46: {  	_ =	shalt  }
0x47: {  	_ =	shalt  }
0x48: {  	_ =	shalt  }
0x49: {  	_ =	shalt  }
0x4a: {  	_ =	shalt  }
0x4b: {  	_ =	shalt  }
0x4c: {  	_ =	shalt  }
0x4d: {  	_ =	shalt  }
0x4e: {  	_ =	shalt  }
0x4f: {  	_ =	shalt  }
0x50: {  	_ =	shalt  }
0x51: {  	_ =	shalt  }
0x52: {  	_ =	shalt  }
0x53: {  	_ =	shalt  }
0x54: {  	_ =	shalt  }
0x55: {  	_ =	shalt  }
0x56: {  	_ =	shalt  }
0x57: {  	_ =	shalt  }
0x58: {  	_ =	shalt  }
0x59: {  	_ =	shalt  }
0x5a: {  	_ =	shalt  }
0x5b: {  	_ =	shalt  }
0x5c: {  	_ =	shalt  }
0x5d: {  	_ =	shalt  }
0x5e: {  	_ =	shalt  }
0x5f: {  	_ =	shalt  }
0x60: {  	_ =	shalt  }
0x61: {  	_ =	shalt  }
0x62: {  	_ =	shalt  }
0x63: {  	_ =	shalt  }
0x64: {  	_ =	shalt  }
0x65: {  	_ =	shalt  }
0x66: {  	_ =	shalt  }
0x67: {  	_ =	shalt  }
0x68: {  	_ =	shalt  }
0x69: {  	_ =	shalt  }
0x6a: {  	_ =	shalt  }
0x6b: {  	_ =	shalt  }
0x6c: {  	_ =	shalt  }
0x6d: {  	_ =	shalt  }
0x6e: {  	_ =	shalt  }
0x6f: {  	_ =	shalt  }
0x70: {  	_ =	shalt  }
0x71: {  	_ =	shalt  }
0x72: {  	_ =	shalt  }
0x73: {  	_ =	shalt  }
0x74: {  	_ =	shalt  }
0x75: {  	_ =	shalt  }
0x76: {  	_ =	shalt  }
0x77: {  	_ =	shalt  }
0x78: {  	_ =	shalt  }
0x79: {  	_ =	shalt  }
0x7a: {  	_ =	shalt  }
0x7b: {  	_ =	shalt  }
0x7c: {  	_ =	shalt  }
0x7d: {  	_ =	shalt  }
0x7e: {  	_ =	shalt  }
0x7f: {  	_ =	shalt  }
0x80: {  	_ =	shalt  }
0x81: {  	_ =	shalt  }
0x82: {  	_ =	shalt  }
0x83: {  	_ =	shalt  }
0x84: {  	_ =	shalt  }
0x85: {  	_ =	shalt  }
0x86: {  	_ =	shalt  }
0x87: {  	_ =	shalt  }
.Lfunc_end0:
.L_simem_size_0:
called_computation.3_lowered:
.L_overlay_start_0:
0x88: {  	s2 =	sld [smem:$0x3FD9]  }
0x89: {  	s3 =	sld [smem:$0x3FFE];
	_ =	sdelay $0x1  }
0x8a: {  	s1 =	srdreg.scid  }
0x8b: {  	s0 =	sand.u32 $0x1, s1  }
0x8c: {  	s15 =	sshll.u32 s0, $0xA;
	s2 =	sadd.s32 s3, s2  }
0x8d: {  	s2 =	sadd.s32 s2, s15  }
0x8e: {  	[smem:$0x3FC4] =	sst s2  }
0x8f: {  	_ = 	snop  }
0x90: {  	s2 =	sld [smem:$0x3FD0];
	_ =	sdelay $0x2  }
0x91: {  	s16 =	simm.s32 $0xB;
	s4 =	simm.s32 $0x10  }
0x92: {  	[smem:s4], [sflag:s16] =	dma.local [hbm:s2], $0x1  }
0x93: {  	_ =	swait.eq [sflag:s16], $0x1  }
0x94: {  	[sflag:s16] =	ssyncset.done $0x0  }
0x95: {  	[sflag:s16] =	ssyncadd.s32 $0xFFFFFFFF  }
0x96: {  	s17 =	sld [smem:$0x11];
	(tm) =	ssettm $0x1  }
0x97: {  	s18 =	sld [smem:$0x3FFB];
	_ =	sdelay $0x3  }
0x98: {  	_ =	strace s18  }
0x99: {  	s2 =	sld [smem:$0x3FFC];
	_ =	sdelay $0x3  }
0x9a: {  	_ =	strace s2  }
0x9b: {  	s2 =	sld [smem:$0x3FFD];
	_ =	sdelay $0x3  }
0x9c: {  	_ =	strace s2  }
0x9d: {  	_ =	strace $0x8FFFFFFF  }
0x9e: {  	s19 =	sld [smem:$0x3FDB];
	_ =	sdelay $0x1  }
0x9f: {  	s20 =	simm.s32 $_scs_section_size  }
0xa0: {  	s5 =	simm.s32 $_size__tile_overlayer_lowered;
	s6 =	simm.s32 $_tile_overlayer_lowered  }
0xa1: {  	s7 =	simm.s32 $0x1BFF;
	s21 =	sshll.u32 s6, $0x1;
	s4 =	sadd.s32 s20, s19  }
0xa2: {  	s22 =	simm.s32 $0x0;
	s5 =	sshll.u32 s5, $0x1;
	s6 =	sadd.s32 s21, s4  }
0xa3: {  	[timem:s22], [sflag:s7] =	dma.local [hbm:s6], s5  }
0xa4: {  	_ =	swait.ge [sflag:s7], s5  }
0xa5: {  	s5 =	ssub.s32 $0x0, s5;
	[sflag:s7] =	ssyncset.done $0x0  }
0xa6: {  	[sflag:s7] =	ssyncadd.s32 s5;
	_ =	sdelay $0x1  }
0xa7: {  	s23 =	simm.s32 $0x1B8B  }
0xa8: {  	_ =	swait.ge [sflag:s23], $0x1  }
0xa9: {  	[sflag:s23] =	ssyncset.done $0x0  }
0xaa: {  	[sflag:s23] =	ssyncadd.s32 $0xFFFFFFFF  }
0xab: {  	s5 =	sld [smem:$0x0]  }
0xac: {  	s6 =	sand.u32 $0xFFFFFFFE, s1  }
0xad: {  	p0 =	sne.s32 s1, s6  }
0xae: {  	s6 =	sshll.u32 @p0 s6, $0xE  }
0xaf: {  	s6 =	sadd.s32 @p0 $0x11B8D, s6;
	s7 =	sshll.u32 @p0 s5, $0x11  }
0xb0: {  	s6 =	sor.u32 @p0 s7, s6  }
0xb1: {  	[sflag:s6] =	ssyncadd.remote.s32 @p0 $0x1;
	_ =	sdelay $0x1  }
0xb2: {  	s6 =	simm.s32 @p0 $0x1B8D  }
0xb3: {  	_ =	swait.eq @p0 [sflag:s6], $0x1  }
0xb4: {  	[sflag:s6] =	ssyncadd.s32 @p0 $0xFFFFFFFF  }
0xb5: {  	s7 =	sshll.u32 @!p0 s1, $0xE  }
0xb6: {  	s7 =	sor.u32 @!p0 $0x4000, s7;
	s6 =	simm.s32 @!p0 $0x1B8D  }
0xb7: {  	s5 =	sshll.u32 @!p0 s5, $0x11;
	s7 =	sadd.s32 @!p0 $0x11B8D, s7;
	_ =	swait.eq @!p0 [sflag:s6], $0x1  }
0xb8: {  	s5 =	sor.u32 @!p0 s5, s7;
	[sflag:s6] =	ssyncadd.s32 @!p0 $0xFFFFFFFF  }
0xb9: {  	s25 =	simm.s32 $0x1B8E;
	s24 =	sld [smem:$0x3FFE];
	[sflag:s5] =	ssyncadd.remote.s32 @!p0 $0x1  }
0xba: {  	s26 =	simm.s32 $execute0_lowered;
	[smem:$0x3FD2] =	sst s25  }
0xbb: {  	s6 =	sshll.u32 s26, $0x1;
	_ =	strace $0x80000049;
	[dreg:$0x1] =	wrdreg $0xFFFFFFFF  }
0xbc: {  	s28 =	simm.s32 $_size_execute0_lowered;
	s4 =	sadd.s32 s4, s6;
	[dreg:$0x0] =	wrdreg $0x0  }
0xbd: {  	s6 =	sshll.u32 s28, $0x1;
	[dreg:$0x2] =	wrdreg s4  }
0xbe: {  	[dreg:$0x3] =	wrdreg s6  }
0xbf: {  	[dreg:$0x4] =	wrdreg $0xC0  }
0xc0: {  	_ =	task [dreg:s22], $0x5FFFF  }
0xc1: {  	[dreg:$0x1] =	wrdreg $0xFFFFFFFF  }
0xc2: {  	[dreg:$0x0] =	wrdreg $0x60  }
0xc3: {  	[dreg:$0x2] =	wrdreg s24  }
0xc4: {  	[dreg:$0x3] =	wrdreg s17  }
0xc5: {  	[dreg:$0x4] =	wrdreg $0xA  }
0xc6: {  	_ =	task.clear_ibuf [dreg:s22], $0x5FFFF;
	_ =	strace $0x90000049  }
0xc7: {  	s29 =	simm.s32 $0xA;
	_ =	strace $0x8000004B  }
0xc8: {  	_ =	swait.ge [sflag:s29], $0x1  }
0xc9: {  	[sflag:s29] =	ssyncadd.s32 $0xFFFFFFFF  }
0xca: {  	_ =	strace $0x9000004B  }
0xcb: {  	_ =	sfence  }
0xcc: {  	s30 =	sld [smem:$0x0];
	_ =	sdelay $0x2  }
0xcd: {  	s31 =	sshll.u32 s1, $0xD;
	s1 =	sshrl.u32 s1, $0x2  }
0xce: {  	s4 =	sand.u32 $0x4000, s31;
	s1 =	sadd.s32 s1, s30  }
0xcf: {  	s0 =	sor.u32 s4, s0;
	s1 =	sshll.u32 s1, $0x11  }
0xd0: {  	s0 =	sor.u32 s1, s0  }
0xd1: {  	s0 =	sadd.s32 $0x8F2B, s0  }
0xd2: {  	[sflag:s0] =	ssyncadd.remote.s32 $0x1  }
0xd3: {  	_ =	sfence.sel $0xFFFF  }
0xd4: {  	[dreg:$0x0] =	wrdreg $0xFFFFFFFF;
	(pc) =	sbr.abs _section_cstart, $3  }
0xd5: {  	[dreg:$0x1] =	wrdreg $0xFFFFFFFF  }
0xd6: {  	_ =	task.clear_ibuf [dreg:s22], $0x2FFFF;
	_ =	strace $0x9FFFFFFF  }
0xd7: {  	(tm) =	ssettm $0x7FFFFFFF  }
tec
execute0_lowered:
.L_overlay_start_1:
0x0: {  	(tag) =	ssettag $0x1  }
0x1: {  	s1 =	srdreg.scid;
	s4 =	rddreg [dreg:$0x0]  }
0x2: {  	s0 =	stileid.u32;
	s5 =	rddreg [dreg:$0x1]  }
0x3: {  	s2 =	simm.s32 $0x0;
	s14 =	simm.s32 $0x2;
	s3 =	sand.u32 $0x1, s1  }
0x4: {  	s15 =	simm.s32 $0x400;
	s6 =	sshll.u32 s0, $0x8;
	s7 =	sshll.u32 s3, $0x7  }
0x5: {  	s16 =	simm.s32 $0x1;
	s1 =	rddreg [dreg:$0x2];
	s6 =	sor.u32 s7, s6  }
0x6: {  	[smem:$0x7FF] =	sst s2;
	s31 =	ssub.s32 $0x2, s3;
	s8 =	smul.u32 $0x300, s6  }
0x7: {  	_ =	strace $0x8000004A;
	s3 =	sadd.s32 $0x1802200, s4;
	s9 =	sshrl.u32 s31, $0x1  }
0x8: {  	s6 =	sadd.s32 s6, s4;
	s7 =	ssub.s32 s31, s9;
	s4 =	sadd.s32 s5, s8  }
0x9: {  	s5 =	sadd.s32 $0x1801200, s6;
	s6 =	smax.u32 s7, $0x1;
	s7 =	sadd.s32 $0x3000, s4  }
0xa: {  	s8 =	sadd.s32 $0x6000, s4;
	s9 =	sadd.s32 $0x9000, s4;
	s10 =	sadd.s32 $0xC000, s4  }
0xb: {  	v0 =	vlaneseq.u32;
	vm0 =	vmmov $0xffff;
	s11 =	sadd.s32 $0xF000, s4;
	s12 =	sadd.s32 $0x12000, s4;
	s13 =	sadd.s32 $0x15000, s4  }
.LBB2_1:
0xc: {  	[tilespmem:s2], [sflag:$0x2] =	stream.linear.gather [hbm4b:s5+s2], $0x400, $0x38;
	[tilespmem:$0x18400] =	vst v63  }
0xd: {  	_ =	swait.ge [sflag:s14], $0x400  }
0xe: {  	[sflag:s14] =	ssyncset.done $0x0  }
0xf: {  	[sflag:s14] =	ssyncadd.s32 $0xFFFFFC00  }
0x10: {  	v1 =	vld [tilespmem:$0x0];
	_ =	sdelay $0x4  }
0x11: {  	v1 =	vmul.u32 $0x1800, v1;
	_ =	sdelay $0x1  }
0x12: {  	v1 =	vperm.xlane v1, v0;
	_ =	sdelay $0x5  }
0x13: {  	[tilespmem:s15], [sflag:$0x1] =	stream.indirect_vreg.gather [hbm4b:s3+s2], $0x1800, v1, vm0, $0x38;
	[tilespmem:$0x18400] =	vst v63  }
0x14: {  	_ =	swait.ge [sflag:s16], $0x18000  }
0x15: {  	[sflag:s16] =	ssyncset.done $0x0  }
0x16: {  	[sflag:s16] =	ssyncadd.s32 $0xFFFE8000  }
0x17: {  	[hbm4b:s4+s2] =	stream.linear.scatter [tilespmem:s15], [sflag:$0x2], $0x18000, $0x38;
	[tilespmem:$0x18400] =	vst v63  }
0x18: {  	_ =	swait.ge [sflag:s14], $0x18000  }
0x19: {  	[sflag:s14] =	ssyncset.done $0x0  }
0x1a: {  	[sflag:s14] =	ssyncadd.s32 $0xFFFE8000  }
0x1b: {  	v1 =	vld [tilespmem:$0x80];
	_ =	sdelay $0x4  }
0x1c: {  	v1 =	vmul.u32 $0x1800, v1;
	_ =	sdelay $0x1  }
0x1d: {  	v1 =	vperm.xlane v1, v0;
	_ =	sdelay $0x5  }
0x1e: {  	[tilespmem:s15], [sflag:$0x1] =	stream.indirect_vreg.gather [hbm4b:s3+s2], $0x1800, v1, vm0, $0x38;
	[tilespmem:$0x18400] =	vst v63  }
0x1f: {  	_ =	swait.ge [sflag:s16], $0x18000  }
0x20: {  	[sflag:s16] =	ssyncset.done $0x0  }
0x21: {  	[sflag:s16] =	ssyncadd.s32 $0xFFFE8000  }
0x22: {  	[hbm4b:s7+s2] =	stream.linear.scatter [tilespmem:s15], [sflag:$0x2], $0x18000, $0x38;
	[tilespmem:$0x18400] =	vst v63  }
0x23: {  	_ =	swait.ge [sflag:s14], $0x18000  }
0x24: {  	[sflag:s14] =	ssyncset.done $0x0  }
0x25: {  	[sflag:s14] =	ssyncadd.s32 $0xFFFE8000  }
0x26: {  	v1 =	vld [tilespmem:$0x100];
	_ =	sdelay $0x4  }
0x27: {  	v1 =	vmul.u32 $0x1800, v1;
	_ =	sdelay $0x1  }
0x28: {  	v1 =	vperm.xlane v1, v0;
	_ =	sdelay $0x5  }
0x29: {  	[tilespmem:s15], [sflag:$0x1] =	stream.indirect_vreg.gather [hbm4b:s3+s2], $0x1800, v1, vm0, $0x38;
	[tilespmem:$0x18400] =	vst v63  }
0x2a: {  	_ =	swait.ge [sflag:s16], $0x18000  }
0x2b: {  	[sflag:s16] =	ssyncset.done $0x0  }
0x2c: {  	[sflag:s16] =	ssyncadd.s32 $0xFFFE8000  }
0x2d: {  	[hbm4b:s8+s2] =	stream.linear.scatter [tilespmem:s15], [sflag:$0x2], $0x18000, $0x38;
	[tilespmem:$0x18400] =	vst v63  }
0x2e: {  	_ =	swait.ge [sflag:s14], $0x18000  }
0x2f: {  	[sflag:s14] =	ssyncset.done $0x0  }
0x30: {  	[sflag:s14] =	ssyncadd.s32 $0xFFFE8000  }
0x31: {  	v1 =	vld [tilespmem:$0x180];
	_ =	sdelay $0x4  }
0x32: {  	v1 =	vmul.u32 $0x1800, v1;
	_ =	sdelay $0x1  }
0x33: {  	v1 =	vperm.xlane v1, v0;
	_ =	sdelay $0x5  }
0x34: {  	[tilespmem:s15], [sflag:$0x1] =	stream.indirect_vreg.gather [hbm4b:s3+s2], $0x1800, v1, vm0, $0x38;
	[tilespmem:$0x18400] =	vst v63  }
0x35: {  	_ =	swait.ge [sflag:s16], $0x18000  }
0x36: {  	[sflag:s16] =	ssyncset.done $0x0  }
0x37: {  	[sflag:s16] =	ssyncadd.s32 $0xFFFE8000  }
0x38: {  	[hbm4b:s9+s2] =	stream.linear.scatter [tilespmem:s15], [sflag:$0x2], $0x18000, $0x38;
	[tilespmem:$0x18400] =	vst v63  }
0x39: {  	_ =	swait.ge [sflag:s14], $0x18000  }
0x3a: {  	[sflag:s14] =	ssyncset.done $0x0  }
0x3b: {  	[sflag:s14] =	ssyncadd.s32 $0xFFFE8000  }
0x3c: {  	v1 =	vld [tilespmem:$0x200];
	_ =	sdelay $0x4  }
0x3d: {  	v1 =	vmul.u32 $0x1800, v1;
	_ =	sdelay $0x1  }
0x3e: {  	v1 =	vperm.xlane v1, v0;
	_ =	sdelay $0x5  }
0x3f: {  	[tilespmem:s15], [sflag:$0x1] =	stream.indirect_vreg.gather [hbm4b:s3+s2], $0x1800, v1, vm0, $0x38;
	[tilespmem:$0x18400] =	vst v63  }
0x40: {  	_ =	swait.ge [sflag:s16], $0x18000  }
0x41: {  	[sflag:s16] =	ssyncset.done $0x0  }
0x42: {  	[sflag:s16] =	ssyncadd.s32 $0xFFFE8000  }
0x43: {  	[hbm4b:s10+s2] =	stream.linear.scatter [tilespmem:s15], [sflag:$0x2], $0x18000, $0x38;
	[tilespmem:$0x18400] =	vst v63  }
0x44: {  	_ =	swait.ge [sflag:s14], $0x18000  }
0x45: {  	[sflag:s14] =	ssyncset.done $0x0  }
0x46: {  	[sflag:s14] =	ssyncadd.s32 $0xFFFE8000  }
0x47: {  	v1 =	vld [tilespmem:$0x280];
	_ =	sdelay $0x4  }
0x48: {  	v1 =	vmul.u32 $0x1800, v1;
	_ =	sdelay $0x1  }
0x49: {  	v1 =	vperm.xlane v1, v0;
	_ =	sdelay $0x5  }
0x4a: {  	[tilespmem:s15], [sflag:$0x1] =	stream.indirect_vreg.gather [hbm4b:s3+s2], $0x1800, v1, vm0, $0x38;
	[tilespmem:$0x18400] =	vst v63  }
0x4b: {  	_ =	swait.ge [sflag:s16], $0x18000  }
0x4c: {  	[sflag:s16] =	ssyncset.done $0x0  }
0x4d: {  	[sflag:s16] =	ssyncadd.s32 $0xFFFE8000  }
0x4e: {  	[hbm4b:s11+s2] =	stream.linear.scatter [tilespmem:s15], [sflag:$0x2], $0x18000, $0x38;
	[tilespmem:$0x18400] =	vst v63  }
0x4f: {  	_ =	swait.ge [sflag:s14], $0x18000  }
0x50: {  	[sflag:s14] =	ssyncset.done $0x0  }
0x51: {  	[sflag:s14] =	ssyncadd.s32 $0xFFFE8000  }
0x52: {  	v1 =	vld [tilespmem:$0x300];
	_ =	sdelay $0x4  }
0x53: {  	v1 =	vmul.u32 $0x1800, v1;
	_ =	sdelay $0x1  }
0x54: {  	v1 =	vperm.xlane v1, v0;
	_ =	sdelay $0x5  }
0x55: {  	[tilespmem:s15], [sflag:$0x1] =	stream.indirect_vreg.gather [hbm4b:s3+s2], $0x1800, v1, vm0, $0x38;
	[tilespmem:$0x18400] =	vst v63  }
0x56: {  	_ =	swait.ge [sflag:s16], $0x18000  }
0x57: {  	[sflag:s16] =	ssyncset.done $0x0  }
0x58: {  	[sflag:s16] =	ssyncadd.s32 $0xFFFE8000  }
0x59: {  	[hbm4b:s12+s2] =	stream.linear.scatter [tilespmem:s15], [sflag:$0x2], $0x18000, $0x38;
	[tilespmem:$0x18400] =	vst v63  }
0x5a: {  	_ =	swait.ge [sflag:s14], $0x18000  }
0x5b: {  	[sflag:s14] =	ssyncset.done $0x0  }
0x5c: {  	[sflag:s14] =	ssyncadd.s32 $0xFFFE8000  }
0x5d: {  	v1 =	vld [tilespmem:$0x380];
	_ =	sdelay $0x4  }
0x5e: {  	v1 =	vmul.u32 $0x1800, v1;
	_ =	sdelay $0x1  }
0x5f: {  	v1 =	vperm.xlane v1, v0;
	_ =	sdelay $0x5  }
0x60: {  	[tilespmem:s15], [sflag:$0x1] =	stream.indirect_vreg.gather [hbm4b:s3+s2], $0x1800, v1, vm0, $0x38;
	[tilespmem:$0x18400] =	vst v63  }
0x61: {  	_ =	swait.ge [sflag:s16], $0x18000  }
0x62: {  	p0 =	sne.s32 s6, $0x1;
	[sflag:s16] =	ssyncset.done $0x0  }
.Ltmp0:
0x63: {  	[sflag:s16] =	ssyncadd.s32 $0xFFFE8000;
	(pc) =	sbr.rel @p0 .LBB2_1-.Ltmp0, $4  }
0x64: {  	[hbm4b:s13+s2] =	stream.linear.scatter [tilespmem:s15], [sflag:$0x2], $0x18000, $0x38;
	[tilespmem:$0x18400] =	vst v63  }
0x65: {  	_ =	swait.ge [sflag:s14], $0x18000  }
0x66: {  	[sflag:s14] =	ssyncset.done $0x0  }
0x67: {  	s6 =	sadd.s32 $0xFFFFFFFF, s6;
	[sflag:s14] =	ssyncadd.s32 $0xFFFE8000  }
0x68: {  	_ =	sfence.sel $0x180000  }
0x69: {  	[bflag:$0x0] =	sbarrier.arrive $0xFFFF  }
0x6a: {  	p0 =	sne.s32 s0, $0x0;
	_ =	strace $0x9000004A  }
0x6b: {  	s0 =	sadd.s32 @!p0 $0x100000, s1;
	[bflag:$0x2] =	sbarrier.arrive $0xFFFF  }
0x6c: {  	[sflag:s0] =	ssyncadd.tile.s32 @!p0 $0x1;
	_ =	shalt  }
.Lfunc_end2:
_tile_overlayer_lowered:
.L_overlay_start_2:
0x6d: {  	(tag) =	ssettag $0x2  }
0x6e: {  	s0 =	rddreg [dreg:$0x0];
	s2 =	stileid.u32  }
0x6f: {  	s1 =	rddreg [dreg:$0x1];
	p0 =	sne.s32 s2, $0x0  }
0x70: {  	s3 =	rddreg [dreg:$0x2];
	[bflag:$0x3] =	sbarrier.arrive $0xFFFF;
	s2 =	simm.s32 @!p0 $0x1C02  }
0x71: {  	[timem:s3], [sflag:s2] =	dma.local @!p0 [hbm:s0], s1  }
0x72: {  	s0 =	simm.s32 @!p0 $0x2  }
0x73: {  	_ =	swait.ge @!p0 [sflag:s0], s1  }
0x74: {  	s1 =	ssub.s32 @!p0 $0x0, s1;
	[sflag:s0] =	ssyncset.done @!p0 $0x0  }
0x75: {  	[sflag:s0] =	ssyncadd.s32 @!p0 s1  }
0x76: {  	[bflag:$0x3] =	sbarrier.arrive $0xFFFF  }
0x77: {  	_ =	shalt  }

// kernel: sparse-core-data-format-call.1.cloned.1.call-start
scs
called_computation.1_lowered:
.L_overlay_start_0:
0x0: {  	s2 =	sld [smem:$0x3FD9]  }
0x1: {  	s3 =	sld [smem:$0x3FFE];
	_ =	sdelay $0x1  }
0x2: {  	s1 =	srdreg.scid  }
0x3: {  	s0 =	sand.u32 $0x1, s1  }
0x4: {  	s16 =	sshll.u32 s0, $0xA;
	s2 =	sadd.s32 s3, s2  }
0x5: {  	s2 =	sadd.s32 s2, s16  }
0x6: {  	[smem:$0x3FC4] =	sst s2  }
0x7: {  	_ = 	snop  }
0x8: {  	s2 =	sld [smem:$0x3FD0];
	_ =	sdelay $0x2  }
0x9: {  	s17 =	simm.s32 $0xB;
	s4 =	simm.s32 $0x10  }
0xa: {  	[smem:s4], [sflag:s17] =	dma.local [hbm:s2], $0x1  }
0xb: {  	_ =	swait.eq [sflag:s17], $0x1  }
0xc: {  	[sflag:s17] =	ssyncset.done $0x0  }
0xd: {  	[sflag:s17] =	ssyncadd.s32 $0xFFFFFFFF  }
0xe: {  	s18 =	sld [smem:$0x10];
	(tm) =	ssettm $0x1  }
0xf: {  	s19 =	sld [smem:$0x3FFB];
	_ =	sdelay $0x3  }
0x10: {  	_ =	strace s19  }
0x11: {  	s2 =	sld [smem:$0x3FFC];
	_ =	sdelay $0x3  }
0x12: {  	_ =	strace s2  }
0x13: {  	s2 =	sld [smem:$0x3FFD];
	_ =	sdelay $0x3  }
0x14: {  	_ =	strace s2  }
0x15: {  	_ =	strace $0x8FFFFFFF  }
0x16: {  	s20 =	sld [smem:$0x3FDB];
	_ =	sdelay $0x1  }
0x17: {  	s21 =	simm.s32 $_scs_section_size  }
0x18: {  	s5 =	simm.s32 $_size__tile_overlayer_lowered;
	s6 =	simm.s32 $_tile_overlayer_lowered  }
0x19: {  	s7 =	simm.s32 $0x1BFF;
	s22 =	sshll.u32 s6, $0x1;
	s4 =	sadd.s32 s21, s20  }
0x1a: {  	s23 =	simm.s32 $0x0;
	s5 =	sshll.u32 s5, $0x1;
	s6 =	sadd.s32 s22, s4  }
0x1b: {  	[timem:s23], [sflag:s7] =	dma.local [hbm:s6], s5  }
0x1c: {  	_ =	swait.ge [sflag:s7], s5  }
0x1d: {  	s5 =	ssub.s32 $0x0, s5;
	[sflag:s7] =	ssyncset.done $0x0  }
0x1e: {  	[sflag:s7] =	ssyncadd.s32 s5;
	_ =	sdelay $0x1  }
0x1f: {  	s24 =	simm.s32 $0x1B8B  }
0x20: {  	_ =	swait.ge [sflag:s24], $0x1  }
0x21: {  	[sflag:s24] =	ssyncset.done $0x0  }
0x22: {  	[sflag:s24] =	ssyncadd.s32 $0xFFFFFFFF  }
0x23: {  	s5 =	sld [smem:$0x0]  }
0x24: {  	s6 =	sand.u32 $0xFFFFFFFE, s1  }
0x25: {  	p0 =	sne.s32 s1, s6  }
0x26: {  	s6 =	sshll.u32 @p0 s6, $0xE  }
0x27: {  	s6 =	sadd.s32 @p0 $0x11B8D, s6;
	s7 =	sshll.u32 @p0 s5, $0x11  }
0x28: {  	s6 =	sor.u32 @p0 s7, s6  }
0x29: {  	[sflag:s6] =	ssyncadd.remote.s32 @p0 $0x1;
	_ =	sdelay $0x1  }
0x2a: {  	s6 =	simm.s32 @p0 $0x1B8D  }
0x2b: {  	_ =	swait.eq @p0 [sflag:s6], $0x1  }
0x2c: {  	[sflag:s6] =	ssyncadd.s32 @p0 $0xFFFFFFFF  }
0x2d: {  	s7 =	sshll.u32 @!p0 s1, $0xE  }
0x2e: {  	s7 =	sor.u32 @!p0 $0x4000, s7;
	s6 =	simm.s32 @!p0 $0x1B8D  }
0x2f: {  	s5 =	sshll.u32 @!p0 s5, $0x11;
	s7 =	sadd.s32 @!p0 $0x11B8D, s7;
	_ =	swait.eq @!p0 [sflag:s6], $0x1  }
0x30: {  	s5 =	sor.u32 @!p0 s5, s7;
	[sflag:s6] =	ssyncadd.s32 @!p0 $0xFFFFFFFF  }
0x31: {  	s26 =	simm.s32 $0x1B8E;
	s25 =	sld [smem:$0x3FFE];
	[sflag:s5] =	ssyncadd.remote.s32 @!p0 $0x1  }
0x32: {  	s27 =	simm.s32 $execute0_lowered;
	[smem:$0x3FD2] =	sst s26  }
0x33: {  	s6 =	sshll.u32 s27, $0x1;
	_ =	strace $0x8000004F;
	[dreg:$0x1] =	wrdreg $0xFFFFFFFF  }
0x34: {  	s28 =	simm.s32 $_size_execute0_lowered;
	s4 =	sadd.s32 s4, s6;
	[dreg:$0x0] =	wrdreg $0x0  }
0x35: {  	s6 =	sshll.u32 s28, $0x1;
	[dreg:$0x2] =	wrdreg s4  }
0x36: {  	[dreg:$0x3] =	wrdreg s6  }
0x37: {  	[dreg:$0x4] =	wrdreg $0xC0  }
0x38: {  	_ =	task [dreg:s23], $0x5FFFF  }
0x39: {  	[dreg:$0x1] =	wrdreg $0xFFFFFFFF  }
0x3a: {  	[dreg:$0x0] =	wrdreg $0x60  }
0x3b: {  	[dreg:$0x2] =	wrdreg s25  }
0x3c: {  	[dreg:$0x3] =	wrdreg s18  }
0x3d: {  	[dreg:$0x4] =	wrdreg $0xA  }
0x3e: {  	_ =	task.clear_ibuf [dreg:s23], $0x5FFFF;
	_ =	strace $0x9000004F  }
0x3f: {  	s29 =	simm.s32 $0xA;
	_ =	strace $0x80000051  }
0x40: {  	_ =	swait.ge [sflag:s29], $0x1  }
0x41: {  	[sflag:s29] =	ssyncadd.s32 $0xFFFFFFFF  }
0x42: {  	_ =	strace $0x90000051  }
0x43: {  	_ =	sfence  }
0x44: {  	s30 =	sld [smem:$0x0];
	_ =	sdelay $0x2  }
0x45: {  	s31 =	sshll.u32 s1, $0xD;
	s1 =	sshrl.u32 s1, $0x2  }
0x46: {  	s4 =	sand.u32 $0x4000, s31;
	s1 =	sadd.s32 s1, s30  }
0x47: {  	s0 =	sor.u32 s4, s0;
	s1 =	sshll.u32 s1, $0x11  }
0x48: {  	s0 =	sor.u32 s1, s0  }
0x49: {  	s0 =	sadd.s32 $0x8F2B, s0  }
0x4a: {  	[sflag:s0] =	ssyncadd.remote.s32 $0x1  }
0x4b: {  	_ =	sfence.sel $0xFFFF  }
0x4c: {  	[dreg:$0x0] =	wrdreg $0xFFFFFFFF;
	(pc) =	sbr.abs _section_cstart, $3  }
0x4d: {  	[dreg:$0x1] =	wrdreg $0xFFFFFFFF  }
0x4e: {  	_ =	task.clear_ibuf [dreg:s23], $0x2FFFF;
	_ =	strace $0x9FFFFFFF  }
0x4f: {  	(tm) =	ssettm $0x7FFFFFFF  }
tec
execute0_lowered:
.L_overlay_start_1:
0x0: {  	(tag) =	ssettag $0x1  }
0x1: {  	s0 =	srdreg.scid  }
0x2: {  	s1 =	sshll.u32 s0, $0x4  }
0x3: {  	s6 =	rddreg [dreg:$0x0];
	s0 =	stileid.u32;
	s1 =	sand.u32 $0x10, s1  }
0x4: {  	s3 =	rddreg [dreg:$0x1];
	s1 =	sor.u32 s0, s1  }
0x5: {  	s5 =	simm.s32 $0x1;
	s31 =	simm.s32 $0x2;
	s2 =	sshll.u32 s1, $0x7  }
0x6: {  	s15 =	simm.s32 $0x0;
	s8 =	simm.s32 $0x1800;
	s4 =	ssub.s32 $0x1000, s2  }
0x7: {  	s9 =	simm.s32 $0x0;
	s14 =	simm.s32 $0x0;
	s30 =	sand.u32 $0xF80, s4  }
0x8: {  	s16 =	simm.s32 $0x0;
	s10 =	simm.s32 $0x0;
	p0 =	sne.s32 s30, $0x0  }
.Ltmp0:
0x9: {  	s7 =	sshrl.u32 s4, $0xC;
	s5 =	simm.s32 @!p0 $0x0;
	(pc) =	sbr.rel .LBB1_1-.Ltmp0, $4  }
0xa: {  	s11 =	simm.s32 $0x0;
	s1 =	rddreg [dreg:$0x2];
	s5 =	sadd.s32 s5, s7  }
0xb: {  	_ =	strace $0x80000050;
	s4 =	simm.s32 $0x1;
	s5 =	smul.u32 $0x3C, s5  }
0xc: {  	s13 =	simm.s32 $0x0;
	s6 =	sadd.s32 $0x1201200, s6;
	[sflag:s4] =	ssyncpa.u1 $0x0  }
0xd: {  	s12 =	smov.u32 s2;
	[sflag:s31] =	ssyncpa.u1 $0x0;
	s7 =	sor.u32 $0x1, s5  }
.LBB1_4:
0xe: {  	_ =	sdelay $0x2  }
0xf: {  	s20 =	sshrl.u32 s16, $0x3  }
0x10: {  	[tilespmem:v0+s19+$0xFFFFFFD0 ss:$0x1] =	vst.idx.msk $0xffff, v7;
	s21 =	sshll.u32 s15, $0x3;
	s20 =	smul.u32 $0x1800, s20  }
0x11: {  	v56 =	vld.idx.msk [tilespmem:v1+s18+$0x0 ss:$0x1], $0xffff;
	[tilespmem:v0+s19+$0xFFFFFFE0 ss:$0x1] =	vst.idx.msk $0xffff, v5;
	s27 =	sshll.u32 s16, $0x7;
	s21 =	sand.u32 $0xFFFFFC00, s21  }
0x12: {  	v57 =	vld.idx.msk [tilespmem:v1+s18+$0xFFFFFF90 ss:$0x1], $0xffff;
	[tilespmem:v0+s19+$0xFFFFFFF0 ss:$0x1] =	vst.idx.msk $0xffff, v4;
	s16 =	sand.u32 $0x380, s27;
	s20 =	sadd.s32 s20, s21  }
0x13: {  	v58 =	vld.idx.msk [tilespmem:v1+s18+$0xFFFFFFA0 ss:$0x1], $0xffff;
	[tilespmem:v0+s19+$0x0 ss:$0x1] =	vst.idx.msk $0xffff, v2;
	s28 =	sand.u32 $0x7F, s15;
	s16 =	sor.u32 s16, s20  }
0x14: {  	v59 =	vld.idx.msk [tilespmem:v1+s18+$0xFFFFFFB0 ss:$0x1], $0xffff;
	[tilespmem:v0+s19+$0x10 ss:$0x1] =	vst.idx.msk $0xffff, v3;
	s15 =	sor.u32 s28, s16  }
0x15: {  	v60 =	vld.idx.msk [tilespmem:v1+s18+$0xFFFFFFC0 ss:$0x1], $0xffff;
	[tilespmem:v0+s19+$0x20 ss:$0x1] =	vst.idx.msk $0xffff, v6;
	s29 =	smulhi.u32 $0xAAAAAAAB, s15  }
0x16: {  	v61 =	vld.idx.msk [tilespmem:v1+s18+$0xFFFFFFD0 ss:$0x1], $0xffff;
	[tilespmem:v0+s18+$0x30 ss:$0x1] =	vst.idx.msk $0xffff, v56;
	s16 =	smulhi.u32 $0xAAAAAAAB, s16  }
0x17: {  	v62 =	vld.idx.msk [tilespmem:v1+s18+$0xFFFFFFE0 ss:$0x1], $0xffff;
	[tilespmem:v0+s18+$0xFFFFFFC0 ss:$0x1] =	vst.idx.msk $0xffff, v57;
	s19 =	sshrl.u32 s29, $0x9  }
0x18: {  	v63 =	vld.idx.msk [tilespmem:v1+s18+$0xFFFFFFF0 ss:$0x1], $0xffff;
	[tilespmem:v0+s18+$0xFFFFFFD0 ss:$0x1] =	vst.idx.msk $0xffff, v58;
	s16 =	sshrl.u32 s16, $0x9;
	s19 =	smul.u32 $0x300, s19  }
0x19: {  	s14 =	smul.u32 $0x60000, s14;
	[tilespmem:v0+s18+$0xFFFFFFE0 ss:$0x1] =	vst.idx.msk $0xffff, v59;
	s16 =	sand.u32 $0xFFF, s16  }
0x1a: {  	[tilespmem:v0+s18+$0xFFFFFFF0 ss:$0x1] =	vst.idx.msk $0xffff, v60;
	s16 =	smul.u32 $0x60, s16;
	s15 =	ssub.s32 s15, s19  }
0x1b: {  	s14 =	sadd.s32 s3, s14;
	[tilespmem:v0+s18+$0x0 ss:$0x1] =	vst.idx.msk $0xffff, v61;
	s19 =	sand.u32 $0x7, s15  }
0x1c: {  	[tilespmem:v0+s18+$0x10 ss:$0x1] =	vst.idx.msk $0xffff, v62;
	s14 =	sadd.s32 s16, s14;
	s15 =	sshrl.u32 s15, $0x3;
	s30 =	sshll.u32 s19, $0x12  }
0x1d: {  	[tilespmem:v0+s18+$0x20 ss:$0x1] =	vst.idx.msk $0xffff, v63;
	s14 =	sadd.s32 s15, s14;
	s31 =	sor.u32 $0x400, s30  }
0x1e: {  	[hbm4b:s14+s31] =	stream.strided.scatter [tilespmem:s17], [sflag:$0x2], $0x4000, s8, s31, $0x38;
	[tilespmem:$0x10000] =	vst v63  }
.LBB1_5:
0x1f: {  	s17 =	sadd.s32 $0x80, s10  }
0x20: {  	s14 =	simm.s32 $0x1;
	p1 =	sgt.s32 s17, $0x2FF  }
0x21: {  	s14 =	simm.s32 @!p1 $0x0  }
0x22: {  	s18 =	sadd.s32 s14, s11  }
0x23: {  	s20 =	smov.u32 s12;
	s14 =	sadd.s32 $0x1000, s12;
	p2 =	sgt.s32 s18, $0x9  }
0x24: {  	s20 =	smov.u32 @p2 s14  }
0x25: {  	s17 =	simm.s32 @p1 $0x0;
	p1 =	sgt.s32 s20, $0xFFF  }
0x26: {  	p0 =	slt.u32 s13, $0x2;
	s20 =	smov.u32 @p1 s2;
	p1 =	sne.s32 s13, s7  }
.Ltmp1:
0x27: {  	s19 =	simm.s32 @!p0 $0x2;
	(pc) =	sbr.rel @!p1 .LBB1_6-.Ltmp1, $4  }
0x28: {  	s15 =	smov.u32 s10;
	s16 =	smov.u32 s12;
	_ =	swait.ge @!p0 [sflag:s19], $0x4000  }
0x29: {  	s9 =	sadd.s32 $0x4000, s9;
	[sflag:s19] =	ssyncset.done @!p0 $0x0;
	s10 =	smov.u32 s17  }
0x2a: {  	[sflag:s19] =	ssyncadd.s32 @!p0 $0xFFFFC000;
	s18 =	simm.s32 @p2 $0x0;
	s14 =	smov.u32 s11  }
0x2b: {  	s11 =	smov.u32 s18;
	s13 =	sadd.s32 $0x1, s13;
	s12 =	smov.u32 s20  }
.LBB1_1:
0x2c: {  	p0 =	sge.u32 s13, s5  }
0x2d: {  	s17 =	sshrl.u32 @!p0 s11, $0x3  }
0x2e: {  	s18 =	sshll.u32 @!p0 s10, $0x3;
	s17 =	smul.u32 @!p0 $0x1800, s17  }
0x2f: {  	s19 =	sshll.u32 @!p0 s11, $0x7;
	s18 =	sand.u32 @!p0 $0xFFFFFC00, s18  }
0x30: {  	s17 =	sadd.s32 @!p0 s17, s18;
	s18 =	sand.u32 @!p0 $0x380, s19  }
0x31: {  	s19 =	sand.u32 @!p0 $0x7F, s10;
	s17 =	sor.u32 @!p0 s18, s17  }
0x32: {  	s18 =	sor.u32 @!p0 s19, s17  }
0x33: {  	s19 =	smulhi.u32 @!p0 $0xAAAAAAAB, s18  }
0x34: {  	s17 =	smulhi.u32 @!p0 $0xAAAAAAAB, s17  }
0x35: {  	s19 =	sshrl.u32 @!p0 s19, $0x9  }
0x36: {  	s31 =	sadd.s32 $0xFFFFFFFF, s13;
	s17 =	sshrl.u32 @!p0 s17, $0x9;
	s19 =	smul.u32 @!p0 $0x300, s19  }
0x37: {  	s20 =	sxor.u32 @!p0 $0xFFFFFFFF, s13;
	s21 =	smul.u32 @!p0 $0x600, s12;
	s17 =	sand.u32 @!p0 $0xF, s17  }
0x38: {  	s20 =	sshll.u32 @!p0 s20, $0xE;
	s17 =	smul.u32 @!p0 $0x60, s17;
	s18 =	ssub.s32 @!p0 s18, s19  }
0x39: {  	s19 =	sand.u32 @!p0 $0x4000, s20;
	s20 =	sadd.s32 @!p0 s6, s21;
	s21 =	sand.u32 @!p0 $0x7, s18  }
0x3a: {  	s18 =	sshrl.u32 @!p0 s18, $0x3;
	s17 =	sadd.s32 @!p0 s17, s20;
	s20 =	sshll.u32 @!p0 s21, $0x12  }
0x3b: {  	s17 =	sadd.s32 @!p0 s18, s17;
	s18 =	sor.u32 @!p0 $0x80, s20;
	s20 =	simm.s32 @!p0 $0x3000  }
0x3c: {  	[tilespmem:s19], [sflag:$0x1] =	stream.strided.gather @!p0 [hbm4b:s17+s18], $0x4000, s20, s18, $0x38;
	[tilespmem:$0x10000] =	vst v63  }
0x3d: {  	p0 =	sge.u32 s31, s5  }
.Ltmp2:
0x3e: {  	_ = 	snop;
	(pc) =	sbr.rel @p0 .LBB1_5-.Ltmp2, $1  }
0x3f: {  	_ =	sdelay $0x3  }
0x40: {  	s17 =	sand.u32 $0x4000, s9  }
0x41: {  	s18 =	sor.u32 $0x70, s17  }
0x42: {  	v1 =	vmov s18;
	_ =	sdelay $0x1  }
0x43: {  	_ =	swait.ge [sflag:s4], $0x4000  }
0x44: {  	[sflag:s4] =	ssyncset.done $0x0  }
0x45: {  	s19 =	simm.s32 $0x0;
	[sflag:s4] =	ssyncadd.s32 $0xFFFFC000  }
0x46: {  	s17 =	sor.u32 $0x8040, s17;
	v6 =	vld.idx.msk [tilespmem:v1+s19+$0x0 ss:$0x1], $0xffff  }
0x47: {  	v0 =	vmov s17;
	v8 =	vld.idx.msk [tilespmem:v1+s19+$0xFFFFFF90 ss:$0x1], $0xffff  }
0x48: {  	v7 =	vld.idx.msk [tilespmem:v1+s19+$0xFFFFFFA0 ss:$0x1], $0xffff  }
0x49: {  	v5 =	vld.idx.msk [tilespmem:v1+s19+$0xFFFFFFB0 ss:$0x1], $0xffff  }
0x4a: {  	v4 =	vld.idx.msk [tilespmem:v1+s19+$0xFFFFFFC0 ss:$0x1], $0xffff  }
0x4b: {  	s31 =	sshll.u32 s13, $0xE;
	v2 =	vld.idx.msk [tilespmem:v1+s19+$0xFFFFFFD0 ss:$0x1], $0xffff  }
0x4c: {  	s17 =	sand.u32 $0x4000, s31;
	v3 =	vld.idx.msk [tilespmem:v1+s19+$0xFFFFFFE0 ss:$0x1], $0xffff;
	[tilespmem:v0+s19+$0x30 ss:$0x1] =	vst.idx.msk $0xffff, v6  }
0x4d: {  	s20 =	simm.s32 $0x400;
	s18 =	simm.s32 $0x80;
	s17 =	sor.u32 $0x8000, s17;
	[tilespmem:v0+s19+$0xFFFFFFC0 ss:$0x1] =	vst.idx.msk $0xffff, v8;
	v6 =	vld.idx.msk [tilespmem:v1+s19+$0xFFFFFFF0 ss:$0x1], $0xffff  }
.LBB1_3:
0x4e: {  	p0 =	sne.s32 s20, $0xFE00;
	v8 =	vld.idx.msk [tilespmem:v1+s18+$0x0 ss:$0x1], $0xffff;
	[tilespmem:v0+s19+$0xFFFFFFD0 ss:$0x1] =	vst.idx.msk $0xffff, v7  }
0x4f: {  	v9 =	vld.idx.msk [tilespmem:v1+s18+$0xFFFFFF90 ss:$0x1], $0xffff;
	[tilespmem:v0+s19+$0xFFFFFFE0 ss:$0x1] =	vst.idx.msk $0xffff, v5  }
0x50: {  	v7 =	vld.idx.msk [tilespmem:v1+s18+$0xFFFFFFA0 ss:$0x1], $0xffff;
	[tilespmem:v0+s19+$0xFFFFFFF0 ss:$0x1] =	vst.idx.msk $0xffff, v4  }
.Ltmp3:
0x51: {  	v5 =	vld.idx.msk [tilespmem:v1+s18+$0xFFFFFFB0 ss:$0x1], $0xffff;
	[tilespmem:v0+s19+$0x0 ss:$0x1] =	vst.idx.msk $0xffff, v2;
	(pc) =	sbr.rel @p0 .LBB1_3-.Ltmp3, $4  }
0x52: {  	v4 =	vld.idx.msk [tilespmem:v1+s18+$0xFFFFFFC0 ss:$0x1], $0xffff;
	[tilespmem:v0+s19+$0x10 ss:$0x1] =	vst.idx.msk $0xffff, v3  }
0x53: {  	v2 =	vld.idx.msk [tilespmem:v1+s18+$0xFFFFFFD0 ss:$0x1], $0xffff;
	[tilespmem:v0+s19+$0x20 ss:$0x1] =	vst.idx.msk $0xffff, v6;
	s19 =	smov.u32 s18  }
0x54: {  	v3 =	vld.idx.msk [tilespmem:v1+s19+$0xFFFFFFE0 ss:$0x1], $0xffff;
	[tilespmem:v0+s19+$0x30 ss:$0x1] =	vst.idx.msk $0xffff, v8  }
0x55: {  	s18 =	sshra.s32 s20, $0x2;
	s20 =	sadd.s32 $0x200, s20;
	[tilespmem:v0+s19+$0xFFFFFFC0 ss:$0x1] =	vst.idx.msk $0xffff, v9;
	v6 =	vld.idx.msk [tilespmem:v1+s19+$0xFFFFFFF0 ss:$0x1], $0xffff  }
.Ltmp4:
0x56: {  	_ = 	snop;
	(pc) =	sbr.rel .LBB1_4-.Ltmp4, $1  }
0x57: {  	_ =	sdelay $0x3  }
.LBB1_6:
0x58: {  	_ =	sfence.sel $0x180000  }
0x59: {  	s2 =	simm.s32 $0x1;
	[bflag:$0x0] =	sbarrier.arrive $0xFFFF  }
0x5a: {  	s31 =	simm.s32 $0x2;
	[sflag:s2] =	ssyncpa.u1 $0x1  }
0x5b: {  	[sflag:s31] =	ssyncpa.u1 $0x1  }
0x5c: {  	p0 =	sne.s32 s0, $0x0;
	_ =	strace $0x90000050  }
0x5d: {  	s0 =	sadd.s32 @!p0 $0x100000, s1;
	[bflag:$0x2] =	sbarrier.arrive $0xFFFF  }
0x5e: {  	[sflag:s0] =	ssyncadd.tile.s32 @!p0 $0x1;
	_ =	shalt  }
.Lfunc_end1:
_tile_overlayer_lowered:
.L_overlay_start_2:
0x5f: {  	(tag) =	ssettag $0x2  }
0x60: {  	s0 =	rddreg [dreg:$0x0];
	s2 =	stileid.u32  }
0x61: {  	s1 =	rddreg [dreg:$0x1];
	p0 =	sne.s32 s2, $0x0  }
0x62: {  	s3 =	rddreg [dreg:$0x2];
	[bflag:$0x3] =	sbarrier.arrive $0xFFFF;
	s2 =	simm.s32 @!p0 $0x1C01  }
0x63: {  	[timem:s3], [sflag:s2] =	dma.local @!p0 [hbm:s0], s1  }
0x64: {  	s0 =	simm.s32 @!p0 $0x1  }
0x65: {  	_ =	swait.ge @!p0 [sflag:s0], s1  }
0x66: {  	s1 =	ssub.s32 @!p0 $0x0, s1;
	[sflag:s0] =	ssyncset.done @!p0 $0x0  }
0x67: {  	[sflag:s0] =	ssyncadd.s32 @!p0 s1  }
0x68: {  	[bflag:$0x3] =	sbarrier.arrive $0xFFFF  }
0x69: {  	_ =	shalt  }

// kernel: sparse-core-data-format-call.cloned.1.call-start
scs
called_computation_lowered:
.L_overlay_start_0:
0x0: {  	s2 =	sld [smem:$0x3FD9]  }
0x1: {  	s3 =	sld [smem:$0x3FFE];
	_ =	sdelay $0x1  }
0x2: {  	s1 =	srdreg.scid  }
0x3: {  	s0 =	sand.u32 $0x1, s1  }
0x4: {  	s15 =	sshll.u32 s0, $0xA;
	s2 =	sadd.s32 s3, s2  }
0x5: {  	s2 =	sadd.s32 s2, s15  }
0x6: {  	[smem:$0x3FC4] =	sst s2  }
0x7: {  	_ = 	snop  }
0x8: {  	s2 =	sld [smem:$0x3FD0];
	_ =	sdelay $0x2  }
0x9: {  	s16 =	simm.s32 $0xB;
	s4 =	simm.s32 $0x10  }
0xa: {  	[smem:s4], [sflag:s16] =	dma.local [hbm:s2], $0x1  }
0xb: {  	_ =	swait.eq [sflag:s16], $0x1  }
0xc: {  	[sflag:s16] =	ssyncset.done $0x0  }
0xd: {  	[sflag:s16] =	ssyncadd.s32 $0xFFFFFFFF  }
0xe: {  	s17 =	sld [smem:$0x11];
	(tm) =	ssettm $0x1  }
0xf: {  	s18 =	sld [smem:$0x3FFB];
	_ =	sdelay $0x3  }
0x10: {  	_ =	strace s18  }
0x11: {  	s3 =	sld [smem:$0x3FFC];
	_ =	sdelay $0x3  }
0x12: {  	_ =	strace s3  }
0x13: {  	s3 =	sld [smem:$0x3FFD];
	_ =	sdelay $0x3  }
0x14: {  	_ =	strace s3  }
0x15: {  	_ =	strace $0x8FFFFFFF  }
0x16: {  	s19 =	sld [smem:$0x3FDB];
	_ =	sdelay $0x1  }
0x17: {  	s20 =	simm.s32 $_scs_section_size  }
0x18: {  	s5 =	simm.s32 $_size__tile_overlayer_lowered;
	s6 =	simm.s32 $_tile_overlayer_lowered  }
0x19: {  	s23 =	simm.s32 $0x1BFF;
	s22 =	sshll.u32 s6, $0x1;
	s3 =	sadd.s32 s20, s19  }
0x1a: {  	s7 =	simm.s32 $0x0;
	s21 =	sshll.u32 s5, $0x1;
	s5 =	sadd.s32 s22, s3  }
0x1b: {  	[timem:s7], [sflag:s23] =	dma.local [hbm:s5], s21  }
0x1c: {  	_ =	swait.ge [sflag:s23], s21  }
0x1d: {  	s4 =	ssub.s32 $0x0, s21;
	[sflag:s23] =	ssyncset.done $0x0  }
0x1e: {  	[sflag:s23] =	ssyncadd.s32 s4;
	_ =	sdelay $0x1  }
0x1f: {  	s24 =	simm.s32 $0x1B8B  }
0x20: {  	_ =	swait.ge [sflag:s24], $0x1  }
0x21: {  	[sflag:s24] =	ssyncset.done $0x0  }
0x22: {  	s26 =	simm.s32 $0x1B8E;
	s25 =	sld [smem:$0x3FFE];
	[sflag:s24] =	ssyncadd.s32 $0xFFFFFFFF  }
0x23: {  	s27 =	simm.s32 $execute0_lowered;
	[smem:$0x3FD2] =	sst s26  }
0x24: {  	s5 =	sshll.u32 s27, $0x1;
	_ =	strace $0x8000004C;
	[dreg:$0x1] =	wrdreg $0xFFFFFFFF  }
0x25: {  	s28 =	simm.s32 $_size_execute0_lowered;
	s3 =	sadd.s32 s3, s5;
	[dreg:$0x0] =	wrdreg $0x0  }
0x26: {  	s5 =	sshll.u32 s28, $0x1;
	[dreg:$0x2] =	wrdreg s3  }
0x27: {  	[dreg:$0x3] =	wrdreg s5  }
0x28: {  	[dreg:$0x4] =	wrdreg $0xC0  }
0x29: {  	_ =	task [dreg:s7], $0x5FFFF  }
0x2a: {  	[dreg:$0x1] =	wrdreg $0xFFFFFFFF  }
0x2b: {  	[dreg:$0x0] =	wrdreg $0x60  }
0x2c: {  	[dreg:$0x2] =	wrdreg s25  }
0x2d: {  	[dreg:$0x3] =	wrdreg s17  }
0x2e: {  	[dreg:$0x4] =	wrdreg $0x9  }
0x2f: {  	_ =	task.clear_ibuf [dreg:s7], $0x5FFFF;
	_ =	strace $0x9000004C  }
0x30: {  	s29 =	simm.s32 $0x9;
	_ =	strace $0x8000004E  }
0x31: {  	_ =	swait.ge [sflag:s29], $0x1  }
0x32: {  	[sflag:s29] =	ssyncadd.s32 $0xFFFFFFFF  }
0x33: {  	_ =	strace $0x9000004E  }
0x34: {  	_ =	sfence  }
0x35: {  	s30 =	sld [smem:$0x0];
	_ =	sdelay $0x2  }
0x36: {  	s31 =	sshll.u32 s1, $0xD;
	s1 =	sshrl.u32 s1, $0x2  }
0x37: {  	s3 =	sand.u32 $0x4000, s31;
	s1 =	sadd.s32 s1, s30  }
0x38: {  	s0 =	sor.u32 s3, s0;
	s1 =	sshll.u32 s1, $0x11  }
0x39: {  	s0 =	sor.u32 s1, s0  }
0x3a: {  	s0 =	sadd.s32 $0x8F2B, s0  }
0x3b: {  	[sflag:s0] =	ssyncadd.remote.s32 $0x1  }
0x3c: {  	_ =	sfence.sel $0xFFFF  }
0x3d: {  	[dreg:$0x0] =	wrdreg $0xFFFFFFFF;
	(pc) =	sbr.abs _section_cstart, $3  }
0x3e: {  	[dreg:$0x1] =	wrdreg $0xFFFFFFFF  }
0x3f: {  	_ =	task.clear_ibuf [dreg:s7], $0x2FFFF;
	_ =	strace $0x9FFFFFFF  }
0x40: {  	(tm) =	ssettm $0x7FFFFFFF  }
0x41: {  	_ =	shalt  }
tec
execute0_lowered:
.L_overlay_start_1:
0x0: {  	(tag) =	ssettag $0x1  }
0x1: {  	s0 =	srdreg.scid  }
0x2: {  	s1 =	sshll.u32 s0, $0x4  }
0x3: {  	s6 =	rddreg [dreg:$0x0];
	s0 =	stileid.u32;
	s1 =	sand.u32 $0x10, s1  }
0x4: {  	s3 =	rddreg [dreg:$0x1];
	s1 =	sor.u32 s0, s1  }
0x5: {  	s5 =	simm.s32 $0x1;
	s31 =	simm.s32 $0x2;
	s2 =	sshll.u32 s1, $0x7  }
0x6: {  	s15 =	simm.s32 $0x0;
	s8 =	simm.s32 $0x1800;
	s4 =	ssub.s32 $0x1000, s2  }
0x7: {  	s9 =	simm.s32 $0x0;
	s14 =	simm.s32 $0x0;
	s30 =	sand.u32 $0xF80, s4  }
0x8: {  	s16 =	simm.s32 $0x0;
	s10 =	simm.s32 $0x0;
	p0 =	sne.s32 s30, $0x0  }
.Ltmp0:
0x9: {  	s7 =	sshrl.u32 s4, $0xC;
	s5 =	simm.s32 @!p0 $0x0;
	(pc) =	sbr.rel .LBB1_1-.Ltmp0, $4  }
0xa: {  	s11 =	simm.s32 $0x0;
	s1 =	rddreg [dreg:$0x2];
	s5 =	sadd.s32 s5, s7  }
0xb: {  	_ =	strace $0x8000004D;
	s4 =	simm.s32 $0x1;
	s5 =	smul.u32 $0x3C, s5  }
0xc: {  	s13 =	simm.s32 $0x0;
	s6 =	sadd.s32 $0x1200, s6;
	[sflag:s4] =	ssyncpa.u1 $0x0  }
0xd: {  	s12 =	smov.u32 s2;
	[sflag:s31] =	ssyncpa.u1 $0x0;
	s7 =	sor.u32 $0x1, s5  }
.LBB1_4:
0xe: {  	_ =	sdelay $0x2  }
0xf: {  	s20 =	sshrl.u32 s16, $0x3  }
0x10: {  	[tilespmem:v0+s19+$0xFFFFFFD0 ss:$0x1] =	vst.idx.msk $0xffff, v7;
	s21 =	sshll.u32 s15, $0x3;
	s20 =	smul.u32 $0x1800, s20  }
0x11: {  	v56 =	vld.idx.msk [tilespmem:v1+s18+$0x0 ss:$0x1], $0xffff;
	[tilespmem:v0+s19+$0xFFFFFFE0 ss:$0x1] =	vst.idx.msk $0xffff, v5;
	s27 =	sshll.u32 s16, $0x7;
	s21 =	sand.u32 $0xFFFFFC00, s21  }
0x12: {  	v57 =	vld.idx.msk [tilespmem:v1+s18+$0xFFFFFF90 ss:$0x1], $0xffff;
	[tilespmem:v0+s19+$0xFFFFFFF0 ss:$0x1] =	vst.idx.msk $0xffff, v4;
	s16 =	sand.u32 $0x380, s27;
	s20 =	sadd.s32 s20, s21  }
0x13: {  	v58 =	vld.idx.msk [tilespmem:v1+s18+$0xFFFFFFA0 ss:$0x1], $0xffff;
	[tilespmem:v0+s19+$0x0 ss:$0x1] =	vst.idx.msk $0xffff, v2;
	s28 =	sand.u32 $0x7F, s15;
	s16 =	sor.u32 s16, s20  }
0x14: {  	v59 =	vld.idx.msk [tilespmem:v1+s18+$0xFFFFFFB0 ss:$0x1], $0xffff;
	[tilespmem:v0+s19+$0x10 ss:$0x1] =	vst.idx.msk $0xffff, v3;
	s15 =	sor.u32 s28, s16  }
0x15: {  	v60 =	vld.idx.msk [tilespmem:v1+s18+$0xFFFFFFC0 ss:$0x1], $0xffff;
	[tilespmem:v0+s19+$0x20 ss:$0x1] =	vst.idx.msk $0xffff, v6;
	s29 =	smulhi.u32 $0xAAAAAAAB, s15  }
0x16: {  	v61 =	vld.idx.msk [tilespmem:v1+s18+$0xFFFFFFD0 ss:$0x1], $0xffff;
	[tilespmem:v0+s18+$0x30 ss:$0x1] =	vst.idx.msk $0xffff, v56;
	s16 =	smulhi.u32 $0xAAAAAAAB, s16  }
0x17: {  	v62 =	vld.idx.msk [tilespmem:v1+s18+$0xFFFFFFE0 ss:$0x1], $0xffff;
	[tilespmem:v0+s18+$0xFFFFFFC0 ss:$0x1] =	vst.idx.msk $0xffff, v57;
	s19 =	sshrl.u32 s29, $0x9  }
0x18: {  	v63 =	vld.idx.msk [tilespmem:v1+s18+$0xFFFFFFF0 ss:$0x1], $0xffff;
	[tilespmem:v0+s18+$0xFFFFFFD0 ss:$0x1] =	vst.idx.msk $0xffff, v58;
	s16 =	sshrl.u32 s16, $0x9;
	s19 =	smul.u32 $0x300, s19  }
0x19: {  	s14 =	smul.u32 $0x60000, s14;
	[tilespmem:v0+s18+$0xFFFFFFE0 ss:$0x1] =	vst.idx.msk $0xffff, v59;
	s16 =	sand.u32 $0xFFF, s16  }
0x1a: {  	[tilespmem:v0+s18+$0xFFFFFFF0 ss:$0x1] =	vst.idx.msk $0xffff, v60;
	s16 =	smul.u32 $0x60, s16;
	s15 =	ssub.s32 s15, s19  }
0x1b: {  	s14 =	sadd.s32 s3, s14;
	[tilespmem:v0+s18+$0x0 ss:$0x1] =	vst.idx.msk $0xffff, v61;
	s19 =	sand.u32 $0x7, s15  }
0x1c: {  	[tilespmem:v0+s18+$0x10 ss:$0x1] =	vst.idx.msk $0xffff, v62;
	s14 =	sadd.s32 s16, s14;
	s15 =	sshrl.u32 s15, $0x3;
	s30 =	sshll.u32 s19, $0x12  }
0x1d: {  	[tilespmem:v0+s18+$0x20 ss:$0x1] =	vst.idx.msk $0xffff, v63;
	s14 =	sadd.s32 s15, s14;
	s31 =	sor.u32 $0x400, s30  }
0x1e: {  	[hbm4b:s14+s31] =	stream.strided.scatter [tilespmem:s17], [sflag:$0x2], $0x4000, s8, s31, $0x38;
	[tilespmem:$0x10000] =	vst v63  }
.LBB1_5:
0x1f: {  	s17 =	sadd.s32 $0x80, s10  }
0x20: {  	s14 =	simm.s32 $0x1;
	p1 =	sgt.s32 s17, $0x2FF  }
0x21: {  	s14 =	simm.s32 @!p1 $0x0  }
0x22: {  	s18 =	sadd.s32 s14, s11  }
0x23: {  	s20 =	smov.u32 s12;
	s14 =	sadd.s32 $0x1000, s12;
	p2 =	sgt.s32 s18, $0x9  }
0x24: {  	s20 =	smov.u32 @p2 s14  }
0x25: {  	s17 =	simm.s32 @p1 $0x0;
	p1 =	sgt.s32 s20, $0xFFF  }
0x26: {  	p0 =	slt.u32 s13, $0x2;
	s20 =	smov.u32 @p1 s2;
	p1 =	sne.s32 s13, s7  }
.Ltmp1:
0x27: {  	s19 =	simm.s32 @!p0 $0x2;
	(pc) =	sbr.rel @!p1 .LBB1_6-.Ltmp1, $4  }
0x28: {  	s15 =	smov.u32 s10;
	s16 =	smov.u32 s12;
	_ =	swait.ge @!p0 [sflag:s19], $0x4000  }
0x29: {  	s9 =	sadd.s32 $0x4000, s9;
	[sflag:s19] =	ssyncset.done @!p0 $0x0;
	s10 =	smov.u32 s17  }
0x2a: {  	[sflag:s19] =	ssyncadd.s32 @!p0 $0xFFFFC000;
	s18 =	simm.s32 @p2 $0x0;
	s14 =	smov.u32 s11  }
0x2b: {  	s11 =	smov.u32 s18;
	s13 =	sadd.s32 $0x1, s13;
	s12 =	smov.u32 s20  }
.LBB1_1:
0x2c: {  	p0 =	sge.u32 s13, s5  }
0x2d: {  	s17 =	sshrl.u32 @!p0 s11, $0x3  }
0x2e: {  	s18 =	sshll.u32 @!p0 s10, $0x3;
	s17 =	smul.u32 @!p0 $0x1800, s17  }
0x2f: {  	s19 =	sshll.u32 @!p0 s11, $0x7;
	s18 =	sand.u32 @!p0 $0xFFFFFC00, s18  }
0x30: {  	s17 =	sadd.s32 @!p0 s17, s18;
	s18 =	sand.u32 @!p0 $0x380, s19  }
0x31: {  	s19 =	sand.u32 @!p0 $0x7F, s10;
	s17 =	sor.u32 @!p0 s18, s17  }
0x32: {  	s18 =	sor.u32 @!p0 s19, s17  }
0x33: {  	s19 =	smulhi.u32 @!p0 $0xAAAAAAAB, s18  }
0x34: {  	s17 =	smulhi.u32 @!p0 $0xAAAAAAAB, s17  }
0x35: {  	s19 =	sshrl.u32 @!p0 s19, $0x9  }
0x36: {  	s31 =	sadd.s32 $0xFFFFFFFF, s13;
	s17 =	sshrl.u32 @!p0 s17, $0x9;
	s19 =	smul.u32 @!p0 $0x300, s19  }
0x37: {  	s20 =	sxor.u32 @!p0 $0xFFFFFFFF, s13;
	s21 =	smul.u32 @!p0 $0x600, s12;
	s17 =	sand.u32 @!p0 $0xF, s17  }
0x38: {  	s20 =	sshll.u32 @!p0 s20, $0xE;
	s17 =	smul.u32 @!p0 $0x60, s17;
	s18 =	ssub.s32 @!p0 s18, s19  }
0x39: {  	s19 =	sand.u32 @!p0 $0x4000, s20;
	s20 =	sadd.s32 @!p0 s6, s21;
	s21 =	sand.u32 @!p0 $0x7, s18  }
0x3a: {  	s18 =	sshrl.u32 @!p0 s18, $0x3;
	s17 =	sadd.s32 @!p0 s17, s20;
	s20 =	sshll.u32 @!p0 s21, $0x12  }
0x3b: {  	s17 =	sadd.s32 @!p0 s18, s17;
	s18 =	sor.u32 @!p0 $0x80, s20;
	s20 =	simm.s32 @!p0 $0x3000  }
0x3c: {  	[tilespmem:s19], [sflag:$0x1] =	stream.strided.gather @!p0 [hbm4b:s17+s18], $0x4000, s20, s18, $0x38;
	[tilespmem:$0x10000] =	vst v63  }
0x3d: {  	p0 =	sge.u32 s31, s5  }
.Ltmp2:
0x3e: {  	_ = 	snop;
	(pc) =	sbr.rel @p0 .LBB1_5-.Ltmp2, $1  }
0x3f: {  	_ =	sdelay $0x3  }
0x40: {  	s17 =	sand.u32 $0x4000, s9  }
0x41: {  	s18 =	sor.u32 $0x70, s17  }
0x42: {  	v1 =	vmov s18;
	_ =	sdelay $0x1  }
0x43: {  	_ =	swait.ge [sflag:s4], $0x4000  }
0x44: {  	[sflag:s4] =	ssyncset.done $0x0  }
0x45: {  	s19 =	simm.s32 $0x0;
	[sflag:s4] =	ssyncadd.s32 $0xFFFFC000  }
0x46: {  	s17 =	sor.u32 $0x8040, s17;
	v6 =	vld.idx.msk [tilespmem:v1+s19+$0x0 ss:$0x1], $0xffff  }
0x47: {  	v0 =	vmov s17;
	v8 =	vld.idx.msk [tilespmem:v1+s19+$0xFFFFFF90 ss:$0x1], $0xffff  }
0x48: {  	v7 =	vld.idx.msk [tilespmem:v1+s19+$0xFFFFFFA0 ss:$0x1], $0xffff  }
0x49: {  	v5 =	vld.idx.msk [tilespmem:v1+s19+$0xFFFFFFB0 ss:$0x1], $0xffff  }
0x4a: {  	v4 =	vld.idx.msk [tilespmem:v1+s19+$0xFFFFFFC0 ss:$0x1], $0xffff  }
0x4b: {  	s31 =	sshll.u32 s13, $0xE;
	v2 =	vld.idx.msk [tilespmem:v1+s19+$0xFFFFFFD0 ss:$0x1], $0xffff  }
0x4c: {  	s17 =	sand.u32 $0x4000, s31;
	v3 =	vld.idx.msk [tilespmem:v1+s19+$0xFFFFFFE0 ss:$0x1], $0xffff;
	[tilespmem:v0+s19+$0x30 ss:$0x1] =	vst.idx.msk $0xffff, v6  }
0x4d: {  	s20 =	simm.s32 $0x400;
	s18 =	simm.s32 $0x80;
	s17 =	sor.u32 $0x8000, s17;
	[tilespmem:v0+s19+$0xFFFFFFC0 ss:$0x1] =	vst.idx.msk $0xffff, v8;
	v6 =	vld.idx.msk [tilespmem:v1+s19+$0xFFFFFFF0 ss:$0x1], $0xffff  }
.LBB1_3:
0x4e: {  	p0 =	sne.s32 s20, $0xFE00;
	v8 =	vld.idx.msk [tilespmem:v1+s18+$0x0 ss:$0x1], $0xffff;
	[tilespmem:v0+s19+$0xFFFFFFD0 ss:$0x1] =	vst.idx.msk $0xffff, v7  }
0x4f: {  	v9 =	vld.idx.msk [tilespmem:v1+s18+$0xFFFFFF90 ss:$0x1], $0xffff;
	[tilespmem:v0+s19+$0xFFFFFFE0 ss:$0x1] =	vst.idx.msk $0xffff, v5  }
0x50: {  	v7 =	vld.idx.msk [tilespmem:v1+s18+$0xFFFFFFA0 ss:$0x1], $0xffff;
	[tilespmem:v0+s19+$0xFFFFFFF0 ss:$0x1] =	vst.idx.msk $0xffff, v4  }
.Ltmp3:
0x51: {  	v5 =	vld.idx.msk [tilespmem:v1+s18+$0xFFFFFFB0 ss:$0x1], $0xffff;
	[tilespmem:v0+s19+$0x0 ss:$0x1] =	vst.idx.msk $0xffff, v2;
	(pc) =	sbr.rel @p0 .LBB1_3-.Ltmp3, $4  }
0x52: {  	v4 =	vld.idx.msk [tilespmem:v1+s18+$0xFFFFFFC0 ss:$0x1], $0xffff;
	[tilespmem:v0+s19+$0x10 ss:$0x1] =	vst.idx.msk $0xffff, v3  }
0x53: {  	v2 =	vld.idx.msk [tilespmem:v1+s18+$0xFFFFFFD0 ss:$0x1], $0xffff;
	[tilespmem:v0+s19+$0x20 ss:$0x1] =	vst.idx.msk $0xffff, v6;
	s19 =	smov.u32 s18  }
0x54: {  	v3 =	vld.idx.msk [tilespmem:v1+s19+$0xFFFFFFE0 ss:$0x1], $0xffff;
	[tilespmem:v0+s19+$0x30 ss:$0x1] =	vst.idx.msk $0xffff, v8  }
0x55: {  	s18 =	sshra.s32 s20, $0x2;
	s20 =	sadd.s32 $0x200, s20;
	[tilespmem:v0+s19+$0xFFFFFFC0 ss:$0x1] =	vst.idx.msk $0xffff, v9;
	v6 =	vld.idx.msk [tilespmem:v1+s19+$0xFFFFFFF0 ss:$0x1], $0xffff  }
.Ltmp4:
0x56: {  	_ = 	snop;
	(pc) =	sbr.rel .LBB1_4-.Ltmp4, $1  }
0x57: {  	_ =	sdelay $0x3  }
.LBB1_6:
0x58: {  	_ =	sfence.sel $0x180000  }
0x59: {  	s2 =	simm.s32 $0x1;
	[bflag:$0x0] =	sbarrier.arrive $0xFFFF  }
0x5a: {  	s31 =	simm.s32 $0x2;
	[sflag:s2] =	ssyncpa.u1 $0x1  }
0x5b: {  	[sflag:s31] =	ssyncpa.u1 $0x1  }
0x5c: {  	p0 =	sne.s32 s0, $0x0;
	_ =	strace $0x9000004D  }
0x5d: {  	s0 =	sadd.s32 @!p0 $0x100000, s1;
	[bflag:$0x2] =	sbarrier.arrive $0xFFFF  }
0x5e: {  	[sflag:s0] =	ssyncadd.tile.s32 @!p0 $0x1;
	_ =	shalt  }
.Lfunc_end1:
_tile_overlayer_lowered:
.L_overlay_start_2:
0x5f: {  	(tag) =	ssettag $0x2  }
0x60: {  	s0 =	rddreg [dreg:$0x0];
	s2 =	stileid.u32  }
0x61: {  	s1 =	rddreg [dreg:$0x1];
	p0 =	sne.s32 s2, $0x0  }
0x62: {  	s3 =	rddreg [dreg:$0x2];
	[bflag:$0x3] =	sbarrier.arrive $0xFFFF;
	s2 =	simm.s32 @!p0 $0x1C01  }
0x63: {  	[timem:s3], [sflag:s2] =	dma.local @!p0 [hbm:s0], s1  }
0x64: {  	s0 =	simm.s32 @!p0 $0x1  }
0x65: {  	_ =	swait.ge @!p0 [sflag:s0], s1  }
0x66: {  	s1 =	ssub.s32 @!p0 $0x0, s1;
	[sflag:s0] =	ssyncset.done @!p0 $0x0  }
0x67: {  	[sflag:s0] =	ssyncadd.s32 @!p0 s1  }
0x68: {  	[bflag:$0x3] =	sbarrier.arrive $0xFFFF  }
0x69: {  	_ =	shalt  }

</sc_bundles>
